<compile_context>
chip_gen: v7x
topology: tpu7x:2x2x1
jax: 0.10.2.dev20260603
libtpu: 0.0.44.dev20260713+nightly
codegen_flags: <defaults>
</compile_context>

<pallas_src>
import functools

import jax
import jax.numpy as jnp
from jax import lax
from jax.experimental import pallas as pl
from jax.experimental.pallas import tpu as pltpu
from jax.experimental.pallas import tpu_sc as plsc

N, L, H, D = 16384, 20, 128, 128
NC, NS = 2, 16
NW = NC * NS
RPW = N // NW
CH = 128
NCH = RPW // CH

_mesh = plsc.VectorSubcoreMesh(
    core_axis_name="c", subcore_axis_name="s",
    num_cores=NC, num_subcores=NS)


def _wid():
    return lax.axis_index("s") * NC + lax.axis_index("c")


@functools.partial(
    pl.kernel,
    out_type=jax.ShapeDtypeStruct((N, H), jnp.float32),
    mesh=_mesh,
    scratch_types=[
        pltpu.VMEM((NCH, CH), jnp.int32),
        pltpu.VMEM((RPW, H), jnp.float32),
        pltpu.SemaphoreType.DMA,
    ],
)
def _sc_gather(table_hbm, idx_hbm, out_hbm, idx_v, rows_v, sem):
    base = _wid() * RPW
    pltpu.sync_copy(idx_hbm.at[_wid()], idx_v)
    copies = [
        pltpu.async_copy(table_hbm.at[idx_v.at[c]],
                         rows_v.at[pl.ds(c * CH, CH)], sem)
        for c in range(NCH)
    ]
    for cp in copies:
        cp.wait()
    pltpu.sync_copy(rows_v, out_hbm.at[pl.ds(base, RPW)])


@functools.partial(
    pl.kernel,
    out_type=(),
    mesh=_mesh,
    scratch_types=[
        pltpu.VMEM((NCH, CH), jnp.int32),
        pltpu.VMEM((RPW, H), jnp.float32),
        pltpu.SemaphoreType.DMA,
    ],
)
def _sc_scatter(table_ref, idx_hbm, nexth_hbm, idx_v, rows_v, sem):
    base = _wid() * RPW
    pltpu.sync_copy(idx_hbm.at[_wid()], idx_v)
    pltpu.sync_copy(nexth_hbm.at[pl.ds(base, RPW)], rows_v)
    copies = [
        pltpu.async_copy(rows_v.at[pl.ds(c * CH, CH)],
                         table_ref.at[idx_v.at[c]], sem)
        for c in range(NCH)
    ]
    for cp in copies:
        cp.wait()


BM = 2048


def _mlp_body(veh_ref, cust_ref, edge_ref, curh_ref, win_ref, bias_ref,
              wh_ref, out_ref):
    pre = jnp.dot(veh_ref[...], win_ref[0:D, :],
                  preferred_element_type=jnp.float32)
    pre += jnp.dot(cust_ref[...], win_ref[D:2 * D, :],
                   preferred_element_type=jnp.float32)
    pre += jnp.dot(edge_ref[...], win_ref[2 * D:3 * D, :],
                   preferred_element_type=jnp.float32)
    pre += jnp.dot(curh_ref[...], wh_ref[...],
                   preferred_element_type=jnp.float32)
    out_ref[...] = jnp.tanh(pre + bias_ref[...])


def _tc_mlp(veh, cust, edge, cur_h, W_in, bias, W_h):
    row = lambda i: (i, 0)
    full = lambda i: (0, 0)
    return pl.pallas_call(
        _mlp_body,
        grid=(N // BM,),
        in_specs=[
            pl.BlockSpec((BM, D), row),
            pl.BlockSpec((BM, D), row),
            pl.BlockSpec((BM, D), row),
            pl.BlockSpec((BM, H), row),
            pl.BlockSpec((3 * D, H), full),
            pl.BlockSpec((1, H), full),
            pl.BlockSpec((D, H), full),
        ],
        out_specs=pl.BlockSpec((BM, H), row),
        out_shape=jax.ShapeDtypeStruct((N, H), jnp.float32),
    )(veh, cust, edge, cur_h, W_in, bias, W_h)


@jax.jit
def kernel(memory, veh_idx, veh_repr, cust_repr, edge_emb, W_in, b_in,
           W_h, b_h):
    n, l, h = memory.shape
    tbl = memory.transpose(1, 0, 2).reshape(l * n, h)
    flat_idx = (veh_idx[:, 0].astype(jnp.int32) * n
                + jnp.arange(n, dtype=jnp.int32))
    idx3 = flat_idx.reshape(NW, NCH, CH)
    cur_h = _sc_gather(tbl, idx3)
    next_h = _tc_mlp(veh_repr[:, 0, :], cust_repr[:, 0, :],
                     edge_emb[:, 0, 0, :], cur_h,
                     W_in, (b_in + b_h).reshape(1, h), W_h)
    out_ref = jax.new_ref(tbl)
    _sc_scatter(out_ref, idx3, next_h)
    return jax.freeze(out_ref).reshape(l, n, h).transpose(1, 0, 2)

# --- scband reference (transcript-rebuilt; emitter-appended) ---
"""Pipeline reference for scband-coordination-memory-40183714021852 (READ-ONLY COPY).

The authoritative reference and input builder live on the scoring server;
editing this copy changes nothing except your own understanding.
"""

import jax, jax.numpy as jnp
import numpy as np

N, L, H, D = 16384, 20, 128, 128

def setup_inputs(seed: int = 0) -> dict:
    key = jax.random.key(seed)
    ks = jax.random.split(key, 8)
    memory = jax.random.normal(ks[0], (N, L, H), dtype=jnp.float32)
    veh_idx = jax.random.randint(ks[1], (N, 1), 0, L)
    veh_repr = jax.random.normal(ks[2], (N, 1, D), dtype=jnp.float32)
    cust_repr = jax.random.normal(ks[3], (N, 1, D), dtype=jnp.float32)
    edge_emb = jax.random.normal(ks[4], (N, 1, 1, D), dtype=jnp.float32)
    W_in = jax.random.normal(ks[5], (3 * D, H), dtype=jnp.float32) * 0.02
    b_in = jnp.zeros((H,), dtype=jnp.float32)
    W_h = jax.random.normal(ks[6], (H, H), dtype=jnp.float32) * 0.02
    b_h = jnp.zeros((H,), dtype=jnp.float32)
    return {"memory": memory, "veh_idx": veh_idx, "veh_repr": veh_repr,
            "cust_repr": cust_repr, "edge_emb": edge_emb,
            "W_in": W_in, "b_in": b_in, "W_h": W_h, "b_h": b_h}

def reference(memory, veh_idx, veh_repr, cust_repr, edge_emb, W_in, b_in, W_h, b_h):
    n, l, h = memory.shape
    # gather current hidden state for each row's vehicle slot: N x 1 x H
    idx = jnp.broadcast_to(veh_idx[:, :, None], (n, 1, h))
    cur_h = jnp.take_along_axis(memory, idx, axis=1)
    # concat inputs: N x 3D
    x = jnp.concatenate([veh_repr[:, 0, :], cust_repr[:, 0, :], edge_emb[:, 0, 0, :]], axis=-1)
    # GRU-like cell update
    next_h = jnp.tanh(x @ W_in + b_in + cur_h[:, 0, :] @ W_h + b_h)
    # scatter-overwrite updated hidden state back into memory
    rows = jnp.arange(n)[:, None]
    updated = memory.at[rows, veh_idx, :].set(next_h[:, None, :])
    return updated

if __name__ == "__main__":
    import jax
    _d = setup_inputs()
    print(jax.jit(kernel)(*tuple(_d.values())))

</pallas_src>

<mosaic_0001>
#map = affine_map<(d0, d1) -> (0, 0)>
#map1 = affine_map<(d0, d1) -> (0, 0, 0)>
module attributes {stable_mosaic.version = 14 : i64} {
  func.func @new_body(%arg0: i32, %arg1: i32, %arg2: memref<327680x128xf32, #tpu.memory_space<hbm>>, %arg3: memref<32x4x128xi32, #tpu.memory_space<hbm>>, %arg4: memref<16384x128xf32, #tpu.memory_space<hbm>>, %arg5: memref<327680x128xf32, #tpu.memory_space<hbm>>, %arg6: memref<4x128xi32, #tpu.memory_space<vmem>>, %arg7: memref<512x128xf32, #tpu.memory_space<vmem>>, %arg8: memref<!tpu.dma_semaphore, #tpu.memory_space<semaphore_mem>>) attributes {dimension_semantics = [#tpu.dimension_semantics<core_parallel>, #tpu.dimension_semantics<subcore_parallel>], iteration_bounds = array<i64: 2, 16>, scalar_prefetch = 0 : i64, scratch_operands = 3 : i64, tpu.core_type = #tpu.core_type<sc_vector_subcore>, window_params = [{transform_indices = #map}, {transform_indices = #map1}, {transform_indices = #map}, {transform_indices = #map}]} {
    %mul3A = arith.constant 2 : i32
    %mul3A_0 = arith.muli %arg1, %mul3A : i32
    %add3A = arith.addi %mul3A_0, %arg0 : i32
    %mul3A_1 = arith.constant 512 : i32
    %mul3A_2 = arith.muli %add3A, %mul3A_1 : i32
    %mul3A_3 = arith.constant 2 : i32
    %mul3A_4 = arith.muli %arg1, %mul3A_3 : i32
    %add3A_5 = arith.addi %mul3A_4, %arg0 : i32
    "tpu.region"() ({
      %run_scoped3A = tpu.sem_alloc : memref<!tpu.dma_semaphore, #tpu.memory_space<semaphore_mem>>
      %dma_start3A_84 = arith.constant 0 : i32
      %dma_start3A_85 = arith.constant 0 : i32
      %dma_start3A_86 = tpu.memref_slice %arg3[%add3A_5, %dma_start3A_84, %dma_start3A_85] : memref<32x4x128xi32, #tpu.memory_space<hbm>> -> memref<1x4x128xi32, #tpu.memory_space<hbm>>
      %dma_start3A_87 = tpu.memref_squeeze %dma_start3A_86 : memref<1x4x128xi32, #tpu.memory_space<hbm>> -> memref<4x128xi32, #tpu.memory_space<hbm>>
      %dma_start3A_88 = arith.constant 0 : i32
      %dma_start3A_89 = arith.constant 0 : i32
      %dma_start3A_90 = tpu.memref_slice %arg3[%add3A_5, %dma_start3A_88, %dma_start3A_89] : memref<32x4x128xi32, #tpu.memory_space<hbm>> -> memref<1x4x128xi32, #tpu.memory_space<hbm>>
      %dma_start3A_91 = tpu.memref_squeeze %dma_start3A_90 : memref<1x4x128xi32, #tpu.memory_space<hbm>> -> memref<4x128xi32, #tpu.memory_space<hbm>>
      tpu.enqueue_dma source(%dma_start3A_91 : memref<4x128xi32, #tpu.memory_space<hbm>>) target(%arg6 : memref<4x128xi32, #tpu.memory_space<vmem>>) target_semaphore(%run_scoped3A : memref<!tpu.dma_semaphore, #tpu.memory_space<semaphore_mem>>)
      %dma_wait3A_92 = arith.constant 0 : i32
      %dma_wait3A_93 = arith.constant 0 : i32
      %dma_wait3A_94 = tpu.memref_slice %arg3[%add3A_5, %dma_wait3A_92, %dma_wait3A_93] : memref<32x4x128xi32, #tpu.memory_space<hbm>> -> memref<1x4x128xi32, #tpu.memory_space<hbm>>
      %dma_wait3A_95 = tpu.memref_squeeze %dma_wait3A_94 : memref<1x4x128xi32, #tpu.memory_space<hbm>> -> memref<4x128xi32, #tpu.memory_space<hbm>>
      %dma_wait3A_96 = arith.constant 0 : i32
      %dma_wait3A_97 = arith.constant 0 : i32
      %dma_wait3A_98 = tpu.memref_slice %arg3[%add3A_5, %dma_wait3A_96, %dma_wait3A_97] : memref<32x4x128xi32, #tpu.memory_space<hbm>> -> memref<1x4x128xi32, #tpu.memory_space<hbm>>
      %dma_wait3A_99 = tpu.memref_squeeze %dma_wait3A_98 : memref<1x4x128xi32, #tpu.memory_space<hbm>> -> memref<4x128xi32, #tpu.memory_space<hbm>>
      tpu.wait_dma2 semaphore(%run_scoped3A : memref<!tpu.dma_semaphore, #tpu.memory_space<semaphore_mem>>) src(%dma_wait3A_99 : memref<4x128xi32, #tpu.memory_space<hbm>>) dst(%arg6 : memref<4x128xi32, #tpu.memory_space<vmem>>)
      tpu.yield
    }) : () -> ()
    "tpu.region"() ({
      %run_scoped3A = tpu.sem_alloc : memref<!tpu.dma_semaphore, #tpu.memory_space<semaphore_mem>>
      %dma_start3A_84 = arith.constant 0 : i32
      %dma_start3A_85 = tpu.memref_slice %arg4[%mul3A_2, %dma_start3A_84] : memref<16384x128xf32, #tpu.memory_space<hbm>> -> memref<512x128xf32, #tpu.memory_space<hbm>>
      %dma_start3A_86 = arith.constant 0 : i32
      %dma_start3A_87 = tpu.memref_slice %arg4[%mul3A_2, %dma_start3A_86] : memref<16384x128xf32, #tpu.memory_space<hbm>> -> memref<512x128xf32, #tpu.memory_space<hbm>>
      tpu.enqueue_dma source(%dma_start3A_87 : memref<512x128xf32, #tpu.memory_space<hbm>>) target(%arg7 : memref<512x128xf32, #tpu.memory_space<vmem>>) target_semaphore(%run_scoped3A : memref<!tpu.dma_semaphore, #tpu.memory_space<semaphore_mem>>)
      %dma_wait3A_88 = arith.constant 0 : i32
      %dma_wait3A_89 = tpu.memref_slice %arg4[%mul3A_2, %dma_wait3A_88] : memref<16384x128xf32, #tpu.memory_space<hbm>> -> memref<512x128xf32, #tpu.memory_space<hbm>>
      %dma_wait3A_90 = arith.constant 0 : i32
      %dma_wait3A_91 = tpu.memref_slice %arg4[%mul3A_2, %dma_wait3A_90] : memref<16384x128xf32, #tpu.memory_space<hbm>> -> memref<512x128xf32, #tpu.memory_space<hbm>>
      tpu.wait_dma2 semaphore(%run_scoped3A : memref<!tpu.dma_semaphore, #tpu.memory_space<semaphore_mem>>) src(%dma_wait3A_91 : memref<512x128xf32, #tpu.memory_space<hbm>>) dst(%arg7 : memref<512x128xf32, #tpu.memory_space<vmem>>)
      tpu.yield
    }) : () -> ()
    %dma_start3A = arith.constant 0 : i32
    %dma_start3A_6 = arith.constant 0 : i32
    %dma_start3A_7 = arith.constant 0 : i32
    %dma_start3A_8 = tpu.memref_slice %arg7[%dma_start3A_6, %dma_start3A_7] : memref<512x128xf32, #tpu.memory_space<vmem>> -> memref<128x128xf32, #tpu.memory_space<vmem>>
    %dma_start3A_9 = arith.constant 0 : i32
    %dma_start3A_10 = tpu.memref_slice %arg6[%dma_start3A, %dma_start3A_9] : memref<4x128xi32, #tpu.memory_space<vmem>> -> memref<1x128xi32, #tpu.memory_space<vmem>>
    %dma_start3A_11 = tpu.memref_squeeze %dma_start3A_10 : memref<1x128xi32, #tpu.memory_space<vmem>> -> memref<128xi32, #tpu.memory_space<vmem>>
    %dma_start3A_12 = arith.constant 0 : i32
    %dma_start3A_13 = arith.constant 0 : i32
    %dma_start3A_14 = tpu.memref_slice %arg2[%dma_start3A_12, %dma_start3A_13] : memref<327680x128xf32, #tpu.memory_space<hbm>> -> memref<327680x128xf32, #tpu.memory_space<hbm>>
    tpu.enqueue_indirect_dma source(%dma_start3A_8 : memref<128x128xf32, #tpu.memory_space<vmem>>) target(%dma_start3A_14 : memref<327680x128xf32, #tpu.memory_space<hbm>>) offsets(%dma_start3A_11 : memref<128xi32, #tpu.memory_space<vmem>>) semaphore(%arg8 : memref<!tpu.dma_semaphore, #tpu.memory_space<semaphore_mem>>)
    %dma_start3A_15 = arith.constant 1 : i32
    %dma_start3A_16 = arith.constant 128 : i32
    %dma_start3A_17 = arith.constant 0 : i32
    %dma_start3A_18 = tpu.memref_slice %arg7[%dma_start3A_16, %dma_start3A_17] : memref<512x128xf32, #tpu.memory_space<vmem>> -> memref<128x128xf32, #tpu.memory_space<vmem>>
    %dma_start3A_19 = arith.constant 0 : i32
    %dma_start3A_20 = tpu.memref_slice %arg6[%dma_start3A_15, %dma_start3A_19] : memref<4x128xi32, #tpu.memory_space<vmem>> -> memref<1x128xi32, #tpu.memory_space<vmem>>
    %dma_start3A_21 = tpu.memref_squeeze %dma_start3A_20 : memref<1x128xi32, #tpu.memory_space<vmem>> -> memref<128xi32, #tpu.memory_space<vmem>>
    %dma_start3A_22 = arith.constant 0 : i32
    %dma_start3A_23 = arith.constant 0 : i32
    %dma_start3A_24 = tpu.memref_slice %arg2[%dma_start3A_22, %dma_start3A_23] : memref<327680x128xf32, #tpu.memory_space<hbm>> -> memref<327680x128xf32, #tpu.memory_space<hbm>>
    tpu.enqueue_indirect_dma source(%dma_start3A_18 : memref<128x128xf32, #tpu.memory_space<vmem>>) target(%dma_start3A_24 : memref<327680x128xf32, #tpu.memory_space<hbm>>) offsets(%dma_start3A_21 : memref<128xi32, #tpu.memory_space<vmem>>) semaphore(%arg8 : memref<!tpu.dma_semaphore, #tpu.memory_space<semaphore_mem>>)
    %dma_start3A_25 = arith.constant 2 : i32
    %dma_start3A_26 = arith.constant 256 : i32
    %dma_start3A_27 = arith.constant 0 : i32
    %dma_start3A_28 = tpu.memref_slice %arg7[%dma_start3A_26, %dma_start3A_27] : memref<512x128xf32, #tpu.memory_space<vmem>> -> memref<128x128xf32, #tpu.memory_space<vmem>>
    %dma_start3A_29 = arith.constant 0 : i32
    %dma_start3A_30 = tpu.memref_slice %arg6[%dma_start3A_25, %dma_start3A_29] : memref<4x128xi32, #tpu.memory_space<vmem>> -> memref<1x128xi32, #tpu.memory_space<vmem>>
    %dma_start3A_31 = tpu.memref_squeeze %dma_start3A_30 : memref<1x128xi32, #tpu.memory_space<vmem>> -> memref<128xi32, #tpu.memory_space<vmem>>
    %dma_start3A_32 = arith.constant 0 : i32
    %dma_start3A_33 = arith.constant 0 : i32
    %dma_start3A_34 = tpu.memref_slice %arg2[%dma_start3A_32, %dma_start3A_33] : memref<327680x128xf32, #tpu.memory_space<hbm>> -> memref<327680x128xf32, #tpu.memory_space<hbm>>
    tpu.enqueue_indirect_dma source(%dma_start3A_28 : memref<128x128xf32, #tpu.memory_space<vmem>>) target(%dma_start3A_34 : memref<327680x128xf32, #tpu.memory_space<hbm>>) offsets(%dma_start3A_31 : memref<128xi32, #tpu.memory_space<vmem>>) semaphore(%arg8 : memref<!tpu.dma_semaphore, #tpu.memory_space<semaphore_mem>>)
    %dma_start3A_35 = arith.constant 3 : i32
    %dma_start3A_36 = arith.constant 384 : i32
    %dma_start3A_37 = arith.constant 0 : i32
    %dma_start3A_38 = tpu.memref_slice %arg7[%dma_start3A_36, %dma_start3A_37] : memref<512x128xf32, #tpu.memory_space<vmem>> -> memref<128x128xf32, #tpu.memory_space<vmem>>
    %dma_start3A_39 = arith.constant 0 : i32
    %dma_start3A_40 = tpu.memref_slice %arg6[%dma_start3A_35, %dma_start3A_39] : memref<4x128xi32, #tpu.memory_space<vmem>> -> memref<1x128xi32, #tpu.memory_space<vmem>>
    %dma_start3A_41 = tpu.memref_squeeze %dma_start3A_40 : memref<1x128xi32, #tpu.memory_space<vmem>> -> memref<128xi32, #tpu.memory_space<vmem>>
    %dma_start3A_42 = arith.constant 0 : i32
    %dma_start3A_43 = arith.constant 0 : i32
    %dma_start3A_44 = tpu.memref_slice %arg2[%dma_start3A_42, %dma_start3A_43] : memref<327680x128xf32, #tpu.memory_space<hbm>> -> memref<327680x128xf32, #tpu.memory_space<hbm>>
    tpu.enqueue_indirect_dma source(%dma_start3A_38 : memref<128x128xf32, #tpu.memory_space<vmem>>) target(%dma_start3A_44 : memref<327680x128xf32, #tpu.memory_space<hbm>>) offsets(%dma_start3A_41 : memref<128xi32, #tpu.memory_space<vmem>>) semaphore(%arg8 : memref<!tpu.dma_semaphore, #tpu.memory_space<semaphore_mem>>)
    %dma_wait3A = arith.constant 0 : i32
    %dma_wait3A_45 = arith.constant 0 : i32
    %dma_wait3A_46 = arith.constant 0 : i32
    %dma_wait3A_47 = tpu.memref_slice %arg7[%dma_wait3A_45, %dma_wait3A_46] : memref<512x128xf32, #tpu.memory_space<vmem>> -> memref<128x128xf32, #tpu.memory_space<vmem>>
    %dma_wait3A_48 = arith.constant 0 : i32
    %dma_wait3A_49 = tpu.memref_slice %arg6[%dma_wait3A, %dma_wait3A_48] : memref<4x128xi32, #tpu.memory_space<vmem>> -> memref<1x128xi32, #tpu.memory_space<vmem>>
    %dma_wait3A_50 = tpu.memref_squeeze %dma_wait3A_49 : memref<1x128xi32, #tpu.memory_space<vmem>> -> memref<128xi32, #tpu.memory_space<vmem>>
    %dma_wait3A_51 = arith.constant 0 : i32
    %dma_wait3A_52 = arith.constant 0 : i32
    %dma_wait3A_53 = tpu.memref_slice %arg2[%dma_wait3A_51, %dma_wait3A_52] : memref<327680x128xf32, #tpu.memory_space<hbm>> -> memref<327680x128xf32, #tpu.memory_space<hbm>>
    tpu.wait_indirect_dma semaphore(%arg8 : memref<!tpu.dma_semaphore, #tpu.memory_space<semaphore_mem>>) src(%dma_wait3A_47 : memref<128x128xf32, #tpu.memory_space<vmem>>) dst(%dma_wait3A_53 : memref<327680x128xf32, #tpu.memory_space<hbm>>)
    %dma_wait3A_54 = arith.constant 1 : i32
    %dma_wait3A_55 = arith.constant 128 : i32
    %dma_wait3A_56 = arith.constant 0 : i32
    %dma_wait3A_57 = tpu.memref_slice %arg7[%dma_wait3A_55, %dma_wait3A_56] : memref<512x128xf32, #tpu.memory_space<vmem>> -> memref<128x128xf32, #tpu.memory_space<vmem>>
    %dma_wait3A_58 = arith.constant 0 : i32
    %dma_wait3A_59 = tpu.memref_slice %arg6[%dma_wait3A_54, %dma_wait3A_58] : memref<4x128xi32, #tpu.memory_space<vmem>> -> memref<1x128xi32, #tpu.memory_space<vmem>>
    %dma_wait3A_60 = tpu.memref_squeeze %dma_wait3A_59 : memref<1x128xi32, #tpu.memory_space<vmem>> -> memref<128xi32, #tpu.memory_space<vmem>>
    %dma_wait3A_61 = arith.constant 0 : i32
    %dma_wait3A_62 = arith.constant 0 : i32
    %dma_wait3A_63 = tpu.memref_slice %arg2[%dma_wait3A_61, %dma_wait3A_62] : memref<327680x128xf32, #tpu.memory_space<hbm>> -> memref<327680x128xf32, #tpu.memory_space<hbm>>
    tpu.wait_indirect_dma semaphore(%arg8 : memref<!tpu.dma_semaphore, #tpu.memory_space<semaphore_mem>>) src(%dma_wait3A_57 : memref<128x128xf32, #tpu.memory_space<vmem>>) dst(%dma_wait3A_63 : memref<327680x128xf32, #tpu.memory_space<hbm>>)
    %dma_wait3A_64 = arith.constant 2 : i32
    %dma_wait3A_65 = arith.constant 256 : i32
    %dma_wait3A_66 = arith.constant 0 : i32
    %dma_wait3A_67 = tpu.memref_slice %arg7[%dma_wait3A_65, %dma_wait3A_66] : memref<512x128xf32, #tpu.memory_space<vmem>> -> memref<128x128xf32, #tpu.memory_space<vmem>>
    %dma_wait3A_68 = arith.constant 0 : i32
    %dma_wait3A_69 = tpu.memref_slice %arg6[%dma_wait3A_64, %dma_wait3A_68] : memref<4x128xi32, #tpu.memory_space<vmem>> -> memref<1x128xi32, #tpu.memory_space<vmem>>
    %dma_wait3A_70 = tpu.memref_squeeze %dma_wait3A_69 : memref<1x128xi32, #tpu.memory_space<vmem>> -> memref<128xi32, #tpu.memory_space<vmem>>
    %dma_wait3A_71 = arith.constant 0 : i32
    %dma_wait3A_72 = arith.constant 0 : i32
    %dma_wait3A_73 = tpu.memref_slice %arg2[%dma_wait3A_71, %dma_wait3A_72] : memref<327680x128xf32, #tpu.memory_space<hbm>> -> memref<327680x128xf32, #tpu.memory_space<hbm>>
    tpu.wait_indirect_dma semaphore(%arg8 : memref<!tpu.dma_semaphore, #tpu.memory_space<semaphore_mem>>) src(%dma_wait3A_67 : memref<128x128xf32, #tpu.memory_space<vmem>>) dst(%dma_wait3A_73 : memref<327680x128xf32, #tpu.memory_space<hbm>>)
    %dma_wait3A_74 = arith.constant 3 : i32
    %dma_wait3A_75 = arith.constant 384 : i32
    %dma_wait3A_76 = arith.constant 0 : i32
    %dma_wait3A_77 = tpu.memref_slice %arg7[%dma_wait3A_75, %dma_wait3A_76] : memref<512x128xf32, #tpu.memory_space<vmem>> -> memref<128x128xf32, #tpu.memory_space<vmem>>
    %dma_wait3A_78 = arith.constant 0 : i32
    %dma_wait3A_79 = tpu.memref_slice %arg6[%dma_wait3A_74, %dma_wait3A_78] : memref<4x128xi32, #tpu.memory_space<vmem>> -> memref<1x128xi32, #tpu.memory_space<vmem>>
    %dma_wait3A_80 = tpu.memref_squeeze %dma_wait3A_79 : memref<1x128xi32, #tpu.memory_space<vmem>> -> memref<128xi32, #tpu.memory_space<vmem>>
    %dma_wait3A_81 = arith.constant 0 : i32
    %dma_wait3A_82 = arith.constant 0 : i32
    %dma_wait3A_83 = tpu.memref_slice %arg2[%dma_wait3A_81, %dma_wait3A_82] : memref<327680x128xf32, #tpu.memory_space<hbm>> -> memref<327680x128xf32, #tpu.memory_space<hbm>>
    tpu.wait_indirect_dma semaphore(%arg8 : memref<!tpu.dma_semaphore, #tpu.memory_space<semaphore_mem>>) src(%dma_wait3A_77 : memref<128x128xf32, #tpu.memory_space<vmem>>) dst(%dma_wait3A_83 : memref<327680x128xf32, #tpu.memory_space<hbm>>)
    return
  }
}

#map = affine_map<(d0, d1) -> (0, 0)>
#map1 = affine_map<(d0, d1) -> (0, 0, 0)>
module attributes {stable_mosaic.version = 14 : i64} {
  func.func @_sc_gather(%arg0: i32, %arg1: i32, %arg2: memref<327680x128xf32, #tpu.memory_space<hbm>>, %arg3: memref<32x4x128xi32, #tpu.memory_space<hbm>>, %arg4: memref<16384x128xf32, #tpu.memory_space<hbm>>, %arg5: memref<4x128xi32, #tpu.memory_space<vmem>>, %arg6: memref<512x128xf32, #tpu.memory_space<vmem>>, %arg7: memref<!tpu.dma_semaphore, #tpu.memory_space<semaphore_mem>>) attributes {dimension_semantics = [#tpu.dimension_semantics<core_parallel>, #tpu.dimension_semantics<subcore_parallel>], iteration_bounds = array<i64: 2, 16>, scalar_prefetch = 0 : i64, scratch_operands = 3 : i64, tpu.core_type = #tpu.core_type<sc_vector_subcore>, window_params = [{transform_indices = #map}, {transform_indices = #map1}, {transform_indices = #map}]} {
    %mul3A = arith.constant 2 : i32
    %mul3A_0 = arith.muli %arg1, %mul3A : i32
    %add3A = arith.addi %mul3A_0, %arg0 : i32
    %mul3A_1 = arith.constant 512 : i32
    %mul3A_2 = arith.muli %add3A, %mul3A_1 : i32
    %mul3A_3 = arith.constant 2 : i32
    %mul3A_4 = arith.muli %arg1, %mul3A_3 : i32
    %add3A_5 = arith.addi %mul3A_4, %arg0 : i32
    "tpu.region"() ({
      %run_scoped3A = tpu.sem_alloc : memref<!tpu.dma_semaphore, #tpu.memory_space<semaphore_mem>>
      %dma_start3A_84 = arith.constant 0 : i32
      %dma_start3A_85 = arith.constant 0 : i32
      %dma_start3A_86 = tpu.memref_slice %arg3[%add3A_5, %dma_start3A_84, %dma_start3A_85] : memref<32x4x128xi32, #tpu.memory_space<hbm>> -> memref<1x4x128xi32, #tpu.memory_space<hbm>>
      %dma_start3A_87 = tpu.memref_squeeze %dma_start3A_86 : memref<1x4x128xi32, #tpu.memory_space<hbm>> -> memref<4x128xi32, #tpu.memory_space<hbm>>
      %dma_start3A_88 = arith.constant 0 : i32
      %dma_start3A_89 = arith.constant 0 : i32
      %dma_start3A_90 = tpu.memref_slice %arg3[%add3A_5, %dma_start3A_88, %dma_start3A_89] : memref<32x4x128xi32, #tpu.memory_space<hbm>> -> memref<1x4x128xi32, #tpu.memory_space<hbm>>
      %dma_start3A_91 = tpu.memref_squeeze %dma_start3A_90 : memref<1x4x128xi32, #tpu.memory_space<hbm>> -> memref<4x128xi32, #tpu.memory_space<hbm>>
      tpu.enqueue_dma source(%dma_start3A_91 : memref<4x128xi32, #tpu.memory_space<hbm>>) target(%arg5 : memref<4x128xi32, #tpu.memory_space<vmem>>) target_semaphore(%run_scoped3A : memref<!tpu.dma_semaphore, #tpu.memory_space<semaphore_mem>>)
      %dma_wait3A_92 = arith.constant 0 : i32
      %dma_wait3A_93 = arith.constant 0 : i32
      %dma_wait3A_94 = tpu.memref_slice %arg3[%add3A_5, %dma_wait3A_92, %dma_wait3A_93] : memref<32x4x128xi32, #tpu.memory_space<hbm>> -> memref<1x4x128xi32, #tpu.memory_space<hbm>>
      %dma_wait3A_95 = tpu.memref_squeeze %dma_wait3A_94 : memref<1x4x128xi32, #tpu.memory_space<hbm>> -> memref<4x128xi32, #tpu.memory_space<hbm>>
      %dma_wait3A_96 = arith.constant 0 : i32
      %dma_wait3A_97 = arith.constant 0 : i32
      %dma_wait3A_98 = tpu.memref_slice %arg3[%add3A_5, %dma_wait3A_96, %dma_wait3A_97] : memref<32x4x128xi32, #tpu.memory_space<hbm>> -> memref<1x4x128xi32, #tpu.memory_space<hbm>>
      %dma_wait3A_99 = tpu.memref_squeeze %dma_wait3A_98 : memref<1x4x128xi32, #tpu.memory_space<hbm>> -> memref<4x128xi32, #tpu.memory_space<hbm>>
      tpu.wait_dma2 semaphore(%run_scoped3A : memref<!tpu.dma_semaphore, #tpu.memory_space<semaphore_mem>>) src(%dma_wait3A_99 : memref<4x128xi32, #tpu.memory_space<hbm>>) dst(%arg5 : memref<4x128xi32, #tpu.memory_space<vmem>>)
      tpu.yield
    }) : () -> ()
    %dma_start3A = arith.constant 0 : i32
    %dma_start3A_6 = arith.constant 0 : i32
    %dma_start3A_7 = arith.constant 0 : i32
    %dma_start3A_8 = tpu.memref_slice %arg6[%dma_start3A_6, %dma_start3A_7] : memref<512x128xf32, #tpu.memory_space<vmem>> -> memref<128x128xf32, #tpu.memory_space<vmem>>
    %dma_start3A_9 = arith.constant 0 : i32
    %dma_start3A_10 = tpu.memref_slice %arg5[%dma_start3A, %dma_start3A_9] : memref<4x128xi32, #tpu.memory_space<vmem>> -> memref<1x128xi32, #tpu.memory_space<vmem>>
    %dma_start3A_11 = tpu.memref_squeeze %dma_start3A_10 : memref<1x128xi32, #tpu.memory_space<vmem>> -> memref<128xi32, #tpu.memory_space<vmem>>
    %dma_start3A_12 = arith.constant 0 : i32
    %dma_start3A_13 = arith.constant 0 : i32
    %dma_start3A_14 = tpu.memref_slice %arg2[%dma_start3A_12, %dma_start3A_13] : memref<327680x128xf32, #tpu.memory_space<hbm>> -> memref<327680x128xf32, #tpu.memory_space<hbm>>
    tpu.enqueue_indirect_dma source(%dma_start3A_14 : memref<327680x128xf32, #tpu.memory_space<hbm>>) target(%dma_start3A_8 : memref<128x128xf32, #tpu.memory_space<vmem>>) offsets(%dma_start3A_11 : memref<128xi32, #tpu.memory_space<vmem>>) semaphore(%arg7 : memref<!tpu.dma_semaphore, #tpu.memory_space<semaphore_mem>>)
    %dma_start3A_15 = arith.constant 1 : i32
    %dma_start3A_16 = arith.constant 128 : i32
    %dma_start3A_17 = arith.constant 0 : i32
    %dma_start3A_18 = tpu.memref_slice %arg6[%dma_start3A_16, %dma_start3A_17] : memref<512x128xf32, #tpu.memory_space<vmem>> -> memref<128x128xf32, #tpu.memory_space<vmem>>
    %dma_start3A_19 = arith.constant 0 : i32
    %dma_start3A_20 = tpu.memref_slice %arg5[%dma_start3A_15, %dma_start3A_19] : memref<4x128xi32, #tpu.memory_space<vmem>> -> memref<1x128xi32, #tpu.memory_space<vmem>>
    %dma_start3A_21 = tpu.memref_squeeze %dma_start3A_20 : memref<1x128xi32, #tpu.memory_space<vmem>> -> memref<128xi32, #tpu.memory_space<vmem>>
    %dma_start3A_22 = arith.constant 0 : i32
    %dma_start3A_23 = arith.constant 0 : i32
    %dma_start3A_24 = tpu.memref_slice %arg2[%dma_start3A_22, %dma_start3A_23] : memref<327680x128xf32, #tpu.memory_space<hbm>> -> memref<327680x128xf32, #tpu.memory_space<hbm>>
    tpu.enqueue_indirect_dma source(%dma_start3A_24 : memref<327680x128xf32, #tpu.memory_space<hbm>>) target(%dma_start3A_18 : memref<128x128xf32, #tpu.memory_space<vmem>>) offsets(%dma_start3A_21 : memref<128xi32, #tpu.memory_space<vmem>>) semaphore(%arg7 : memref<!tpu.dma_semaphore, #tpu.memory_space<semaphore_mem>>)
    %dma_start3A_25 = arith.constant 2 : i32
    %dma_start3A_26 = arith.constant 256 : i32
    %dma_start3A_27 = arith.constant 0 : i32
    %dma_start3A_28 = tpu.memref_slice %arg6[%dma_start3A_26, %dma_start3A_27] : memref<512x128xf32, #tpu.memory_space<vmem>> -> memref<128x128xf32, #tpu.memory_space<vmem>>
    %dma_start3A_29 = arith.constant 0 : i32
    %dma_start3A_30 = tpu.memref_slice %arg5[%dma_start3A_25, %dma_start3A_29] : memref<4x128xi32, #tpu.memory_space<vmem>> -> memref<1x128xi32, #tpu.memory_space<vmem>>
    %dma_start3A_31 = tpu.memref_squeeze %dma_start3A_30 : memref<1x128xi32, #tpu.memory_space<vmem>> -> memref<128xi32, #tpu.memory_space<vmem>>
    %dma_start3A_32 = arith.constant 0 : i32
    %dma_start3A_33 = arith.constant 0 : i32
    %dma_start3A_34 = tpu.memref_slice %arg2[%dma_start3A_32, %dma_start3A_33] : memref<327680x128xf32, #tpu.memory_space<hbm>> -> memref<327680x128xf32, #tpu.memory_space<hbm>>
    tpu.enqueue_indirect_dma source(%dma_start3A_34 : memref<327680x128xf32, #tpu.memory_space<hbm>>) target(%dma_start3A_28 : memref<128x128xf32, #tpu.memory_space<vmem>>) offsets(%dma_start3A_31 : memref<128xi32, #tpu.memory_space<vmem>>) semaphore(%arg7 : memref<!tpu.dma_semaphore, #tpu.memory_space<semaphore_mem>>)
    %dma_start3A_35 = arith.constant 3 : i32
    %dma_start3A_36 = arith.constant 384 : i32
    %dma_start3A_37 = arith.constant 0 : i32
    %dma_start3A_38 = tpu.memref_slice %arg6[%dma_start3A_36, %dma_start3A_37] : memref<512x128xf32, #tpu.memory_space<vmem>> -> memref<128x128xf32, #tpu.memory_space<vmem>>
    %dma_start3A_39 = arith.constant 0 : i32
    %dma_start3A_40 = tpu.memref_slice %arg5[%dma_start3A_35, %dma_start3A_39] : memref<4x128xi32, #tpu.memory_space<vmem>> -> memref<1x128xi32, #tpu.memory_space<vmem>>
    %dma_start3A_41 = tpu.memref_squeeze %dma_start3A_40 : memref<1x128xi32, #tpu.memory_space<vmem>> -> memref<128xi32, #tpu.memory_space<vmem>>
    %dma_start3A_42 = arith.constant 0 : i32
    %dma_start3A_43 = arith.constant 0 : i32
    %dma_start3A_44 = tpu.memref_slice %arg2[%dma_start3A_42, %dma_start3A_43] : memref<327680x128xf32, #tpu.memory_space<hbm>> -> memref<327680x128xf32, #tpu.memory_space<hbm>>
    tpu.enqueue_indirect_dma source(%dma_start3A_44 : memref<327680x128xf32, #tpu.memory_space<hbm>>) target(%dma_start3A_38 : memref<128x128xf32, #tpu.memory_space<vmem>>) offsets(%dma_start3A_41 : memref<128xi32, #tpu.memory_space<vmem>>) semaphore(%arg7 : memref<!tpu.dma_semaphore, #tpu.memory_space<semaphore_mem>>)
    %dma_wait3A = arith.constant 0 : i32
    %dma_wait3A_45 = arith.constant 0 : i32
    %dma_wait3A_46 = arith.constant 0 : i32
    %dma_wait3A_47 = tpu.memref_slice %arg6[%dma_wait3A_45, %dma_wait3A_46] : memref<512x128xf32, #tpu.memory_space<vmem>> -> memref<128x128xf32, #tpu.memory_space<vmem>>
    %dma_wait3A_48 = arith.constant 0 : i32
    %dma_wait3A_49 = tpu.memref_slice %arg5[%dma_wait3A, %dma_wait3A_48] : memref<4x128xi32, #tpu.memory_space<vmem>> -> memref<1x128xi32, #tpu.memory_space<vmem>>
    %dma_wait3A_50 = tpu.memref_squeeze %dma_wait3A_49 : memref<1x128xi32, #tpu.memory_space<vmem>> -> memref<128xi32, #tpu.memory_space<vmem>>
    %dma_wait3A_51 = arith.constant 0 : i32
    %dma_wait3A_52 = arith.constant 0 : i32
    %dma_wait3A_53 = tpu.memref_slice %arg2[%dma_wait3A_51, %dma_wait3A_52] : memref<327680x128xf32, #tpu.memory_space<hbm>> -> memref<327680x128xf32, #tpu.memory_space<hbm>>
    tpu.wait_indirect_dma semaphore(%arg7 : memref<!tpu.dma_semaphore, #tpu.memory_space<semaphore_mem>>) src(%dma_wait3A_53 : memref<327680x128xf32, #tpu.memory_space<hbm>>) dst(%dma_wait3A_47 : memref<128x128xf32, #tpu.memory_space<vmem>>)
    %dma_wait3A_54 = arith.constant 1 : i32
    %dma_wait3A_55 = arith.constant 128 : i32
    %dma_wait3A_56 = arith.constant 0 : i32
    %dma_wait3A_57 = tpu.memref_slice %arg6[%dma_wait3A_55, %dma_wait3A_56] : memref<512x128xf32, #tpu.memory_space<vmem>> -> memref<128x128xf32, #tpu.memory_space<vmem>>
    %dma_wait3A_58 = arith.constant 0 : i32
    %dma_wait3A_59 = tpu.memref_slice %arg5[%dma_wait3A_54, %dma_wait3A_58] : memref<4x128xi32, #tpu.memory_space<vmem>> -> memref<1x128xi32, #tpu.memory_space<vmem>>
    %dma_wait3A_60 = tpu.memref_squeeze %dma_wait3A_59 : memref<1x128xi32, #tpu.memory_space<vmem>> -> memref<128xi32, #tpu.memory_space<vmem>>
    %dma_wait3A_61 = arith.constant 0 : i32
    %dma_wait3A_62 = arith.constant 0 : i32
    %dma_wait3A_63 = tpu.memref_slice %arg2[%dma_wait3A_61, %dma_wait3A_62] : memref<327680x128xf32, #tpu.memory_space<hbm>> -> memref<327680x128xf32, #tpu.memory_space<hbm>>
    tpu.wait_indirect_dma semaphore(%arg7 : memref<!tpu.dma_semaphore, #tpu.memory_space<semaphore_mem>>) src(%dma_wait3A_63 : memref<327680x128xf32, #tpu.memory_space<hbm>>) dst(%dma_wait3A_57 : memref<128x128xf32, #tpu.memory_space<vmem>>)
    %dma_wait3A_64 = arith.constant 2 : i32
    %dma_wait3A_65 = arith.constant 256 : i32
    %dma_wait3A_66 = arith.constant 0 : i32
    %dma_wait3A_67 = tpu.memref_slice %arg6[%dma_wait3A_65, %dma_wait3A_66] : memref<512x128xf32, #tpu.memory_space<vmem>> -> memref<128x128xf32, #tpu.memory_space<vmem>>
    %dma_wait3A_68 = arith.constant 0 : i32
    %dma_wait3A_69 = tpu.memref_slice %arg5[%dma_wait3A_64, %dma_wait3A_68] : memref<4x128xi32, #tpu.memory_space<vmem>> -> memref<1x128xi32, #tpu.memory_space<vmem>>
    %dma_wait3A_70 = tpu.memref_squeeze %dma_wait3A_69 : memref<1x128xi32, #tpu.memory_space<vmem>> -> memref<128xi32, #tpu.memory_space<vmem>>
    %dma_wait3A_71 = arith.constant 0 : i32
    %dma_wait3A_72 = arith.constant 0 : i32
    %dma_wait3A_73 = tpu.memref_slice %arg2[%dma_wait3A_71, %dma_wait3A_72] : memref<327680x128xf32, #tpu.memory_space<hbm>> -> memref<327680x128xf32, #tpu.memory_space<hbm>>
    tpu.wait_indirect_dma semaphore(%arg7 : memref<!tpu.dma_semaphore, #tpu.memory_space<semaphore_mem>>) src(%dma_wait3A_73 : memref<327680x128xf32, #tpu.memory_space<hbm>>) dst(%dma_wait3A_67 : memref<128x128xf32, #tpu.memory_space<vmem>>)
    %dma_wait3A_74 = arith.constant 3 : i32
    %dma_wait3A_75 = arith.constant 384 : i32
    %dma_wait3A_76 = arith.constant 0 : i32
    %dma_wait3A_77 = tpu.memref_slice %arg6[%dma_wait3A_75, %dma_wait3A_76] : memref<512x128xf32, #tpu.memory_space<vmem>> -> memref<128x128xf32, #tpu.memory_space<vmem>>
    %dma_wait3A_78 = arith.constant 0 : i32
    %dma_wait3A_79 = tpu.memref_slice %arg5[%dma_wait3A_74, %dma_wait3A_78] : memref<4x128xi32, #tpu.memory_space<vmem>> -> memref<1x128xi32, #tpu.memory_space<vmem>>
    %dma_wait3A_80 = tpu.memref_squeeze %dma_wait3A_79 : memref<1x128xi32, #tpu.memory_space<vmem>> -> memref<128xi32, #tpu.memory_space<vmem>>
    %dma_wait3A_81 = arith.constant 0 : i32
    %dma_wait3A_82 = arith.constant 0 : i32
    %dma_wait3A_83 = tpu.memref_slice %arg2[%dma_wait3A_81, %dma_wait3A_82] : memref<327680x128xf32, #tpu.memory_space<hbm>> -> memref<327680x128xf32, #tpu.memory_space<hbm>>
    tpu.wait_indirect_dma semaphore(%arg7 : memref<!tpu.dma_semaphore, #tpu.memory_space<semaphore_mem>>) src(%dma_wait3A_83 : memref<327680x128xf32, #tpu.memory_space<hbm>>) dst(%dma_wait3A_77 : memref<128x128xf32, #tpu.memory_space<vmem>>)
    "tpu.region"() ({
      %run_scoped3A = tpu.sem_alloc : memref<!tpu.dma_semaphore, #tpu.memory_space<semaphore_mem>>
      %dma_start3A_84 = arith.constant 0 : i32
      %dma_start3A_85 = tpu.memref_slice %arg4[%mul3A_2, %dma_start3A_84] : memref<16384x128xf32, #tpu.memory_space<hbm>> -> memref<512x128xf32, #tpu.memory_space<hbm>>
      %dma_start3A_86 = arith.constant 0 : i32
      %dma_start3A_87 = tpu.memref_slice %arg4[%mul3A_2, %dma_start3A_86] : memref<16384x128xf32, #tpu.memory_space<hbm>> -> memref<512x128xf32, #tpu.memory_space<hbm>>
      tpu.enqueue_dma source(%arg6 : memref<512x128xf32, #tpu.memory_space<vmem>>) target(%dma_start3A_87 : memref<512x128xf32, #tpu.memory_space<hbm>>) target_semaphore(%run_scoped3A : memref<!tpu.dma_semaphore, #tpu.memory_space<semaphore_mem>>)
      %dma_wait3A_88 = arith.constant 0 : i32
      %dma_wait3A_89 = tpu.memref_slice %arg4[%mul3A_2, %dma_wait3A_88] : memref<16384x128xf32, #tpu.memory_space<hbm>> -> memref<512x128xf32, #tpu.memory_space<hbm>>
      %dma_wait3A_90 = arith.constant 0 : i32
      %dma_wait3A_91 = tpu.memref_slice %arg4[%mul3A_2, %dma_wait3A_90] : memref<16384x128xf32, #tpu.memory_space<hbm>> -> memref<512x128xf32, #tpu.memory_space<hbm>>
      tpu.wait_dma2 semaphore(%run_scoped3A : memref<!tpu.dma_semaphore, #tpu.memory_space<semaphore_mem>>) src(%arg6 : memref<512x128xf32, #tpu.memory_space<vmem>>) dst(%dma_wait3A_91 : memref<512x128xf32, #tpu.memory_space<hbm>>)
      tpu.yield
    }) : () -> ()
    return
  }
}

module attributes {stable_mosaic.version = 14 : i64} {
  func.func @_mlp_body(%arg0: i32, %arg1: memref<2048x128xf32, #tpu.memory_space<vmem>>, %arg2: memref<2048x128xf32, #tpu.memory_space<vmem>>, %arg3: memref<2048x128xf32, #tpu.memory_space<vmem>>, %arg4: memref<2048x128xf32, #tpu.memory_space<vmem>>, %arg5: memref<384x128xf32, #tpu.memory_space<vmem>>, %arg6: memref<1x128xf32, #tpu.memory_space<vmem>>, %arg7: memref<128x128xf32, #tpu.memory_space<vmem>>, %arg8: memref<2048x128xf32, #tpu.memory_space<vmem>>) attributes {dimension_semantics = [#tpu.dimension_semantics<arbitrary>], iteration_bounds = array<i64: 8>, scalar_prefetch = 0 : i64, scratch_operands = 0 : i64, tpu.core_type = #tpu.core_type<tc>, window_params = [{transform_indices = @transform_0, window_bounds = array<i64: 2048, 128>}, {transform_indices = @transform_1, window_bounds = array<i64: 2048, 128>}, {transform_indices = @transform_2, window_bounds = array<i64: 2048, 128>}, {transform_indices = @transform_3, window_bounds = array<i64: 2048, 128>}, {pipeline_mode = #tpu.pipeline_mode<synchronous>, transform_indices = @transform_4, window_bounds = array<i64: 384, 128>}, {pipeline_mode = #tpu.pipeline_mode<synchronous>, transform_indices = @transform_5, window_bounds = array<i64: 1, 128>}, {pipeline_mode = #tpu.pipeline_mode<synchronous>, transform_indices = @transform_6, window_bounds = array<i64: 128, 128>}, {transform_indices = @transform_7, window_bounds = array<i64: 2048, 128>}]} {
    %get3A = arith.constant 0 : index
    %get3A_0 = arith.constant 0 : index
    %get3A_1 = vector.load %arg1[%get3A, %get3A_0] : memref<2048x128xf32, #tpu.memory_space<vmem>>, vector<2048x128xf32>
    %get3A_2 = arith.constant 0 : index
    %get3A_3 = arith.constant 0 : index
    %get3A_4 = vector.load %arg5[%get3A_2, %get3A_3] : memref<384x128xf32, #tpu.memory_space<vmem>>, vector<128x128xf32>
    %dot_general3A = arith.constant dense<0.000000e+00> : vector<2048x128xf32>
    %dot_general3A_5 = tpu.matmul %get3A_1, %get3A_4, %dot_general3A {dimension_numbers = #tpu.dot_dimension_numbers<[1], [0], [0], [1], [0, 0, 1, 1], [], []>, transpose_lhs_hint = false} : vector<2048x128xf32>, vector<128x128xf32>, vector<2048x128xf32> -> vector<2048x128xf32>
    %get3A_6 = arith.constant 0 : index
    %get3A_7 = arith.constant 0 : index
    %get3A_8 = vector.load %arg2[%get3A_6, %get3A_7] : memref<2048x128xf32, #tpu.memory_space<vmem>>, vector<2048x128xf32>
    %get3A_9 = arith.constant 128 : index
    %get3A_10 = arith.constant 0 : index
    %get3A_11 = vector.load %arg5[%get3A_9, %get3A_10] : memref<384x128xf32, #tpu.memory_space<vmem>>, vector<128x128xf32>
    %dot_general3A_12 = arith.constant dense<0.000000e+00> : vector<2048x128xf32>
    %dot_general3A_13 = tpu.matmul %get3A_8, %get3A_11, %dot_general3A_12 {dimension_numbers = #tpu.dot_dimension_numbers<[1], [0], [0], [1], [0, 0, 1, 1], [], []>, transpose_lhs_hint = false} : vector<2048x128xf32>, vector<128x128xf32>, vector<2048x128xf32> -> vector<2048x128xf32>
    %add3A = arith.addf %dot_general3A_5, %dot_general3A_13 : vector<2048x128xf32>
    %get3A_14 = arith.constant 0 : index
    %get3A_15 = arith.constant 0 : index
    %get3A_16 = vector.load %arg3[%get3A_14, %get3A_15] : memref<2048x128xf32, #tpu.memory_space<vmem>>, vector<2048x128xf32>
    %get3A_17 = arith.constant 256 : index
    %get3A_18 = arith.constant 0 : index
    %get3A_19 = vector.load %arg5[%get3A_17, %get3A_18] : memref<384x128xf32, #tpu.memory_space<vmem>>, vector<128x128xf32>
    %dot_general3A_20 = arith.constant dense<0.000000e+00> : vector<2048x128xf32>
    %dot_general3A_21 = tpu.matmul %get3A_16, %get3A_19, %dot_general3A_20 {dimension_numbers = #tpu.dot_dimension_numbers<[1], [0], [0], [1], [0, 0, 1, 1], [], []>, transpose_lhs_hint = false} : vector<2048x128xf32>, vector<128x128xf32>, vector<2048x128xf32> -> vector<2048x128xf32>
    %add3A_22 = arith.addf %add3A, %dot_general3A_21 : vector<2048x128xf32>
    %get3A_23 = arith.constant 0 : index
    %get3A_24 = arith.constant 0 : index
    %get3A_25 = vector.load %arg4[%get3A_23, %get3A_24] : memref<2048x128xf32, #tpu.memory_space<vmem>>, vector<2048x128xf32>
    %get3A_26 = arith.constant 0 : index
    %get3A_27 = arith.constant 0 : index
    %get3A_28 = vector.load %arg7[%get3A_26, %get3A_27] : memref<128x128xf32, #tpu.memory_space<vmem>>, vector<128x128xf32>
    %dot_general3A_29 = arith.constant dense<0.000000e+00> : vector<2048x128xf32>
    %dot_general3A_30 = tpu.matmul %get3A_25, %get3A_28, %dot_general3A_29 {dimension_numbers = #tpu.dot_dimension_numbers<[1], [0], [0], [1], [0, 0, 1, 1], [], []>, transpose_lhs_hint = false} : vector<2048x128xf32>, vector<128x128xf32>, vector<2048x128xf32> -> vector<2048x128xf32>
    %add3A_31 = arith.addf %add3A_22, %dot_general3A_30 : vector<2048x128xf32>
    %get3A_32 = arith.constant 0 : index
    %get3A_33 = arith.constant 0 : index
    %get3A_34 = vector.load %arg6[%get3A_32, %get3A_33] : memref<1x128xf32, #tpu.memory_space<vmem>>, vector<1x128xf32>
    %add3A_35 = vector.broadcast %get3A_34 : vector<1x128xf32> to vector<2048x128xf32>
    %add3A_36 = arith.addf %add3A_31, %add3A_35 : vector<2048x128xf32>
    %tanh3A = math.tanh %add3A_36 : vector<2048x128xf32>
    %swap3A = arith.constant 0 : index
    %swap3A_37 = arith.constant 0 : index
    %swap3A_38 = vector.load %arg8[%swap3A, %swap3A_37] : memref<2048x128xf32, #tpu.memory_space<vmem>>, vector<2048x128xf32>
    tpu.vector_store %arg8[%swap3A, %swap3A_37], %tanh3A {strides = array<i32>} : memref<2048x128xf32, #tpu.memory_space<vmem>>, vector<2048x128xf32>,
    return
  }
  func.func @transform_0(%arg0: i32) -> (i32, i32) {
    %c0_i32 = arith.constant 0 : i32
    %c0_i32_0 = arith.constant 0 : i32
    return %arg0, %c0_i32 : i32, i32
  }
  func.func @transform_1(%arg0: i32) -> (i32, i32) {
    %c0_i32 = arith.constant 0 : i32
    %c0_i32_0 = arith.constant 0 : i32
    return %arg0, %c0_i32 : i32, i32
  }
  func.func @transform_2(%arg0: i32) -> (i32, i32) {
    %c0_i32 = arith.constant 0 : i32
    %c0_i32_0 = arith.constant 0 : i32
    return %arg0, %c0_i32 : i32, i32
  }
  func.func @transform_3(%arg0: i32) -> (i32, i32) {
    %c0_i32 = arith.constant 0 : i32
    %c0_i32_0 = arith.constant 0 : i32
    return %arg0, %c0_i32 : i32, i32
  }
  func.func @transform_4(%arg0: i32) -> (i32, i32) {
    %c0_i32 = arith.constant 0 : i32
    %c0_i32_0 = arith.constant 0 : i32
    %c0_i32_1 = arith.constant 0 : i32
    return %c0_i32, %c0_i32_0 : i32, i32
  }
  func.func @transform_5(%arg0: i32) -> (i32, i32) {
    %c0_i32 = arith.constant 0 : i32
    %c0_i32_0 = arith.constant 0 : i32
    %c0_i32_1 = arith.constant 0 : i32
    return %c0_i32, %c0_i32_0 : i32, i32
  }
  func.func @transform_6(%arg0: i32) -> (i32, i32) {
    %c0_i32 = arith.constant 0 : i32
    %c0_i32_0 = arith.constant 0 : i32
    %c0_i32_1 = arith.constant 0 : i32
    return %c0_i32, %c0_i32_0 : i32, i32
  }
  func.func @transform_7(%arg0: i32) -> (i32, i32) {
    %c0_i32 = arith.constant 0 : i32
    %c0_i32_0 = arith.constant 0 : i32
    return %arg0, %c0_i32 : i32, i32
  }
}

</mosaic_0001>

<sc_bundles>
// kernel: kernel.5.cloned.1.call-start
scs
__scs_entry_jumppad:
0x0: {  	(pc) =	sbr.rel $0x88, $3  }
0x1: {  	(tag) =	ssettag $0x0;
	lr =	simm.s32 $0x1  }
0x2: {  	[smem:$0x3F98] =	sst lr;
	_ =	strace $0xD0000000  }
0x3: {  	_ = 	snop  }
0x4: {  	_ = 	snop  }
0x5: {  	_ = 	snop  }
0x6: {  	_ = 	snop  }
0x7: {  	_ = 	snop  }
__scs_overlays_trampoline_lowered:
0x8: {  	[smem:$0x3FA7] =	sst s0  }
0x9: {  	[smem:$0x3FA8] =	sst s1  }
0xa: {  	[smem:$0x3FA9] =	sst s2  }
0xb: {  	[smem:$0x3FAA] =	sst s3  }
0xc: {  	[smem:$0x3FAB] =	sst s4  }
0xd: {  	[smem:$0x3FAC] =	sst s5  }
0xe: {  	[smem:$0x3FAD] =	sst s6  }
0xf: {  	[smem:$0x3FAE] =	sst s7  }
0x10: {  	[smem:$0x3FAF] =	sst s8  }
0x11: {  	[smem:$0x3FB0] =	sst s9;
	s0 =	simm.s32 @!p0 $0x0  }
0x12: {  	s1 =	sld [smem:$0x3F96];
	s0 =	simm.s32 @p0 $0x1  }
0x13: {  	[smem:$0x3FB1] =	sst s0;
	s0 =	simm.s32 @!p1 $0x0  }
0x14: {  	s2 =	sld [smem:$0x3F95];
	s0 =	simm.s32 @p1 $0x1  }
0x15: {  	[smem:$0x3FB2] =	sst s0;
	s0 =	simm.s32 @!p2 $0x0  }
0x16: {  	s3 =	sld [smem:$0x3FDB];
	s0 =	simm.s32 @p2 $0x1  }
0x17: {  	s4 =	simm.s32 $0x1BF5;
	[smem:$0x3FB4] =	sst s0  }
0x18: {  	s0 =	sld [smem:$0x3F97];
	_ =	swait.ge [sflag:s4], $0x0  }
0x19: {  	s7 =	sld [smem:$0x3F98]  }
0x1a: {  	s8 =	sadd.s32 $0xFFFFE003, lr  }
0x1b: {  	s9 =	sadd.s32 $0xFFFFFEF7, lr;
	s5 =	simm.s32 $0xFFFFFFFF;
	p2 =	slt.u32 s8, $0xFFFFF086  }
0x1c: {  	p1 =	slt.u32 s9, $0xF7A;
	s5 =	simm.s32 @!p2 $0x0  }
0x1d: {  	s5 =	simm.s32 @p1 $0x1;
	p0 =	seq.s32 s7, s2  }
0x1e: {  	s7 =	smul.u32 @!p0 $0xF7A, s2;
	p2 =	seq.s32 @!p0 s5, $0x0  }
0x1f: {  	s9 =	smul.u32 $0xF7A, s1;
	s8 =	simm.s32 @!p0 $0x1BF5;
	p2 =	por !p2, p0  }
0x20: {  	[sflag:s8] =	ssyncset.s32 @!p0 $0xFFFFF086;
	s6 =	sadd.s32 @!p0 s3, s7;
	s7 =	simm.s32 @!p0 $0x108  }
0x21: {  	s3 =	sadd.s32 s3, s9;
	s6 =	sadd.s32 @!p0 $0x88, s6;
	s7 =	simm.s32 @p2 $0x1082  }
0x22: {  	[simem:s7], [sflag:s8] =	dma.local @!p0 [hbm:s6], $0xF7A  }
0x23: {  	s9 =	sor.u32 $0xD0000000, s2;
	s6 =	simm.s32 $0x108;
	_ =	swait.ge @!p0 [sflag:s8], $0x0  }
0x24: {  	s3 =	sadd.s32 $0x88, s3;
	s6 =	simm.s32 @!p1 $0x1082;
	[sflag:s4] =	ssyncset.s32 $0xFFFFF086  }
0x25: {  	[simem:s6], [sflag:s4] =	dma.local [hbm:s3], $0xF7A  }
0x26: {  	[smem:$0x3F98] =	sst s1;
	(tag) =	ssettag s2;
	_ =	strace s9  }
0x27: {  	s1 =	sld [smem:$0x3FA8]  }
0x28: {  	s2 =	sld [smem:$0x3FA9]  }
0x29: {  	s4 =	sld [smem:$0x3FAB]  }
0x2a: {  	p0 =	seq.s32 s5, $0x0;
	s5 =	sld [smem:$0x3FAC]  }
0x2b: {  	s6 =	sld [smem:$0x3FAD]  }
0x2c: {  	s7 =	sld [smem:$0x3FAE]  }
0x2d: {  	s3 =	simm.s32 $0x108;
	s8 =	sld [smem:$0x3FAF]  }
0x2e: {  	s3 =	simm.s32 @!p0 $0x1082;
	s9 =	sld [smem:$0x3FB0]  }
0x2f: {  	lr =	sadd.s32 s0, s3;
	s0 =	sld [smem:$0x3FA7]  }
0x30: {  	s3 =	sld [smem:$0x3FAA]  }
0x31: {  	[smem:$0x3FB3] =	sst s10  }
0x32: {  	s10 =	sld [smem:$0x3FB1];
	_ =	sdelay $0x3  }
0x33: {  	p0 =	seq.s32 s10, $0x1;
	s10 =	sld [smem:$0x3FB3];
	_ =	sdelay $0x3  }
0x34: {  	[smem:$0x3FB3] =	sst s10  }
0x35: {  	s10 =	sld [smem:$0x3FB2];
	_ =	sdelay $0x3  }
0x36: {  	p1 =	seq.s32 s10, $0x1;
	s10 =	sld [smem:$0x3FB3];
	_ =	sdelay $0x3  }
0x37: {  	[smem:$0x3FB3] =	sst s10  }
0x38: {  	s10 =	sld [smem:$0x3FB4]  }
0x39: {  	_ = 	snop;
	(pc) =	sbr.ind lr, $3  }
0x3a: {  	_ = 	snop  }
0x3b: {  	_ = 	snop  }
0x3c: {  	p2 =	seq.s32 s10, $0x1;
	s10 =	sld [smem:$0x3FB3]  }
0x3d: {  	_ =	shalt  }
0x3e: {  	_ =	shalt  }
0x3f: {  	_ =	shalt  }
0x40: {  	_ =	shalt  }
0x41: {  	_ =	shalt  }
0x42: {  	_ =	shalt  }
0x43: {  	_ =	shalt  }
0x44: {  	_ =	shalt  }
0x45: {  	_ =	shalt  }
0x46: {  	_ =	shalt  }
0x47: {  	_ =	shalt  }
0x48: {  	_ =	shalt  }
0x49: {  	_ =	shalt  }
0x4a: {  	_ =	shalt  }
0x4b: {  	_ =	shalt  }
0x4c: {  	_ =	shalt  }
0x4d: {  	_ =	shalt  }
0x4e: {  	_ =	shalt  }
0x4f: {  	_ =	shalt  }
0x50: {  	_ =	shalt  }
0x51: {  	_ =	shalt  }
0x52: {  	_ =	shalt  }
0x53: {  	_ =	shalt  }
0x54: {  	_ =	shalt  }
0x55: {  	_ =	shalt  }
0x56: {  	_ =	shalt  }
0x57: {  	_ =	shalt  }
0x58: {  	_ =	shalt  }
0x59: {  	_ =	shalt  }
0x5a: {  	_ =	shalt  }
0x5b: {  	_ =	shalt  }
0x5c: {  	_ =	shalt  }
0x5d: {  	_ =	shalt  }
0x5e: {  	_ =	shalt  }
0x5f: {  	_ =	shalt  }
0x60: {  	_ =	shalt  }
0x61: {  	_ =	shalt  }
0x62: {  	_ =	shalt  }
0x63: {  	_ =	shalt  }
0x64: {  	_ =	shalt  }
0x65: {  	_ =	shalt  }
0x66: {  	_ =	shalt  }
0x67: {  	_ =	shalt  }
0x68: {  	_ =	shalt  }
0x69: {  	_ =	shalt  }
0x6a: {  	_ =	shalt  }
0x6b: {  	_ =	shalt  }
0x6c: {  	_ =	shalt  }
0x6d: {  	_ =	shalt  }
0x6e: {  	_ =	shalt  }
0x6f: {  	_ =	shalt  }
0x70: {  	_ =	shalt  }
0x71: {  	_ =	shalt  }
0x72: {  	_ =	shalt  }
0x73: {  	_ =	shalt  }
0x74: {  	_ =	shalt  }
0x75: {  	_ =	shalt  }
0x76: {  	_ =	shalt  }
0x77: {  	_ =	shalt  }
0x78: {  	_ =	shalt  }
0x79: {  	_ =	shalt  }
0x7a: {  	_ =	shalt  }
0x7b: {  	_ =	shalt  }
0x7c: {  	_ =	shalt  }
0x7d: {  	_ =	shalt  }
0x7e: {  	_ =	shalt  }
0x7f: {  	_ =	shalt  }
0x80: {  	_ =	shalt  }
0x81: {  	_ =	shalt  }
0x82: {  	_ =	shalt  }
0x83: {  	_ =	shalt  }
0x84: {  	_ =	shalt  }
0x85: {  	_ =	shalt  }
0x86: {  	_ =	shalt  }
0x87: {  	_ =	shalt  }
.Lfunc_end0:
.L_simem_size_0:
called_computation_lowered:
.L_overlay_start_0:
0x88: {  	s2 =	sld [smem:$0x3FD9]  }
0x89: {  	s3 =	sld [smem:$0x3FFE];
	_ =	sdelay $0x1  }
0x8a: {  	s1 =	srdreg.scid  }
0x8b: {  	s0 =	sand.u32 $0x1, s1  }
0x8c: {  	s17 =	sshll.u32 s0, $0xA;
	s2 =	sadd.s32 s3, s2  }
0x8d: {  	s2 =	sadd.s32 s2, s17  }
0x8e: {  	[smem:$0x3FBF] =	sst s2  }
0x8f: {  	_ = 	snop  }
0x90: {  	s2 =	sld [smem:$0x3FD0];
	(tm) =	ssettm $0x1  }
0x91: {  	s18 =	sld [smem:$0x3FFB];
	_ =	sdelay $0x3  }
0x92: {  	_ =	strace s18  }
0x93: {  	s3 =	sld [smem:$0x3FFC];
	_ =	sdelay $0x3  }
0x94: {  	_ =	strace s3  }
0x95: {  	s3 =	sld [smem:$0x3FFD];
	_ =	sdelay $0x3  }
0x96: {  	_ =	strace s3  }
0x97: {  	_ =	strace $0x8FFFFFFF  }
0x98: {  	s19 =	sld [smem:$0x3FDB];
	_ =	sdelay $0x1  }
0x99: {  	s4 =	simm.s32 $_scs_section_size  }
0x9a: {  	s5 =	simm.s32 $_size__tile_overlayer_lowered;
	s6 =	simm.s32 $_tile_overlayer_lowered  }
0x9b: {  	s22 =	simm.s32 $0x1BFF;
	s21 =	sshll.u32 s6, $0x1;
	s3 =	sadd.s32 s4, s19  }
0x9c: {  	s7 =	simm.s32 $0x0;
	s20 =	sshll.u32 s5, $0x1;
	s5 =	sadd.s32 s21, s3  }
0x9d: {  	[timem:s7], [sflag:s22] =	dma.local [hbm:s5], s20  }
0x9e: {  	_ =	swait.ge [sflag:s22], s20  }
0x9f: {  	s4 =	ssub.s32 $0x0, s20;
	[sflag:s22] =	ssyncset.done $0x0  }
0xa0: {  	[sflag:s22] =	ssyncadd.s32 s4;
	_ =	sdelay $0x1  }
0xa1: {  	s23 =	simm.s32 $0x1B8B  }
0xa2: {  	_ =	swait.ge [sflag:s23], $0x1  }
0xa3: {  	[sflag:s23] =	ssyncset.done $0x0  }
0xa4: {  	s25 =	simm.s32 $0x1B8E;
	s24 =	sld [smem:$0x3FFE];
	[sflag:s23] =	ssyncadd.s32 $0xFFFFFFFF  }
0xa5: {  	s26 =	simm.s32 $execute0_lowered;
	[smem:$0x3FD2] =	sst s25  }
0xa6: {  	s5 =	sshll.u32 s26, $0x1;
	_ =	strace $0x80000046;
	[dreg:$0x1] =	wrdreg $0xFFFFFFFF  }
0xa7: {  	s28 =	simm.s32 $_size_execute0_lowered;
	s3 =	sadd.s32 s3, s5;
	[dreg:$0x0] =	wrdreg $0x0  }
0xa8: {  	s5 =	sshll.u32 s28, $0x1;
	[dreg:$0x2] =	wrdreg s3  }
0xa9: {  	[dreg:$0x3] =	wrdreg s5  }
0xaa: {  	[dreg:$0x4] =	wrdreg $0xC0  }
0xab: {  	_ =	task [dreg:s7], $0x5FFFF  }
0xac: {  	[dreg:$0x1] =	wrdreg $0xFFFFFFFF  }
0xad: {  	[dreg:$0x0] =	wrdreg $0x60  }
0xae: {  	[dreg:$0x2] =	wrdreg s2  }
0xaf: {  	[dreg:$0x3] =	wrdreg s24  }
0xb0: {  	[dreg:$0x4] =	wrdreg $0x9  }
0xb1: {  	_ =	task.clear_ibuf [dreg:s7], $0x5FFFF;
	_ =	strace $0x90000046  }
0xb2: {  	s29 =	simm.s32 $0x9;
	_ =	strace $0x80000048  }
0xb3: {  	_ =	swait.ge [sflag:s29], $0x1  }
0xb4: {  	[sflag:s29] =	ssyncadd.s32 $0xFFFFFFFF  }
0xb5: {  	_ =	strace $0x90000048  }
0xb6: {  	_ =	sfence  }
0xb7: {  	s30 =	sld [smem:$0x0];
	_ =	sdelay $0x2  }
0xb8: {  	s31 =	sshll.u32 s1, $0xD;
	s1 =	sshrl.u32 s1, $0x2  }
0xb9: {  	s3 =	sand.u32 $0x4000, s31;
	s1 =	sadd.s32 s1, s30  }
0xba: {  	s0 =	sor.u32 s3, s0;
	s1 =	sshll.u32 s1, $0x11  }
0xbb: {  	s0 =	sor.u32 s1, s0  }
0xbc: {  	s0 =	sadd.s32 $0x8F2B, s0  }
0xbd: {  	[sflag:s0] =	ssyncadd.remote.s32 $0x1  }
0xbe: {  	_ =	sfence.sel $0xFFFF  }
0xbf: {  	[dreg:$0x0] =	wrdreg $0xFFFFFFFF;
	(pc) =	sbr.abs _section_cstart, $3  }
0xc0: {  	[dreg:$0x1] =	wrdreg $0xFFFFFFFF  }
0xc1: {  	_ =	task.clear_ibuf [dreg:s7], $0x2FFFF;
	_ =	strace $0x9FFFFFFF  }
0xc2: {  	(tm) =	ssettm $0x7FFFFFFF  }
0xc3: {  	_ =	shalt  }
tec
execute0_lowered:
.L_overlay_start_1:
0x0: {  	(tag) =	ssettag $0x1  }
0x1: {  	s1 =	srdreg.scid  }
0x2: {  	s0 =	stileid.u32;
	s14 =	sand.u32 $0x1, s1  }
0x3: {  	s2 =	rddreg [dreg:$0x0];
	s29 =	sshll.u32 s0, $0xA;
	s3 =	sshll.u32 s14, $0x9  }
0x4: {  	s15 =	rddreg [dreg:$0x1];
	s16 =	sor.u32 s3, s29  }
0x5: {  	s1 =	rddreg [dreg:$0x2];
	s3 =	simm.s32 $0x0;
	s4 =	sshrl.u32 s16, $0x3  }
0x6: {  	[smem:$0x7FF] =	sst s3;
	s4 =	sadd.s32 s4, s15  }
0x7: {  	_ =	strace $0x80000047;
	s5 =	sadd.s32 $0x1600, s4;
	s4 =	simm.s32 $0x2  }
0x8: {  	[tilespmem:s3], [sflag:$0x2] =	stream.linear.gather [hbm4b:s5+s3], $0x200, $0x38;
	[tilespmem:$0x10200] =	vst v63  }
0x9: {  	_ =	swait.ge [sflag:s4], $0x200  }
0xa: {  	[sflag:s4] =	ssyncset.done $0x0  }
0xb: {  	s6 =	simm.s32 $0x80;
	s7 =	simm.s32 $0x200;
	[sflag:s4] =	ssyncadd.s32 $0xFFFFFE00  }
0xc: {  	[tilespmem:s7], [sflag:$0x1] =	stream.indirect.gather [hbm4b:s2+s6], $0x80, s3, s6, $0xb8;
	[tilespmem:$0x10200] =	vst v63  }
0xd: {  	s8 =	simm.s32 $0x4200  }
0xe: {  	[tilespmem:s8], [sflag:$0x1] =	stream.indirect.gather [hbm4b:s2+s6], $0x80, s6, s6, $0xb8;
	[tilespmem:$0x10200] =	vst v63  }
0xf: {  	s9 =	simm.s32 $0x100;
	s10 =	simm.s32 $0x8200  }
0x10: {  	[tilespmem:s10], [sflag:$0x1] =	stream.indirect.gather [hbm4b:s2+s6], $0x80, s9, s6, $0xb8;
	[tilespmem:$0x10200] =	vst v63  }
0x11: {  	s11 =	simm.s32 $0x180;
	s12 =	simm.s32 $0xC200;
	s13 =	simm.s32 $0x1  }
0x12: {  	[tilespmem:s12], [sflag:$0x1] =	stream.indirect.gather [hbm4b:s2+s6], $0x80, s11, s6, $0xb8;
	[tilespmem:$0x10200] =	vst v63  }
0x13: {  	_ =	swait.ge [sflag:s13], $0x4000  }
0x14: {  	[sflag:s13] =	ssyncset.done $0x0  }
0x15: {  	[sflag:s13] =	ssyncadd.s32 $0xFFFFC000  }
0x16: {  	_ =	swait.ge [sflag:s13], $0x4000  }
0x17: {  	[sflag:s13] =	ssyncset.done $0x0  }
0x18: {  	s14 =	ssub.s32 $0x2, s14;
	[sflag:s13] =	ssyncadd.s32 $0xFFFFC000  }
0x19: {  	s17 =	sshrl.u32 s14, $0x1;
	_ =	swait.ge [sflag:s13], $0x4000  }
0x1a: {  	s30 =	ssub.s32 s14, s17;
	[sflag:s13] =	ssyncset.done $0x0  }
0x1b: {  	s31 =	smax.u32 s30, $0x1;
	[sflag:s13] =	ssyncadd.s32 $0xFFFFC000  }
0x1c: {  	s16 =	sshll.u32 s16, $0x4;
	p0 =	sne.s32 s31, $0x1;
	_ =	swait.ge [sflag:s13], $0x4000  }
.Ltmp0:
0x1d: {  	s15 =	sadd.s32 s16, s15;
	[sflag:s13] =	ssyncset.done $0x0;
	(pc) =	sbr.rel @!p0 .LBB2_2-.Ltmp0, $4  }
0x1e: {  	s14 =	sadd.s32 $0x1E00, s15;
	[sflag:s13] =	ssyncadd.s32 $0xFFFFC000  }
0x1f: {  	[hbm4b:s14+s3] =	stream.linear.scatter [tilespmem:s7], [sflag:$0x2], $0x10000, $0x38;
	[tilespmem:$0x10200] =	vst v63  }
0x20: {  	_ =	swait.ge [sflag:s4], $0x10000  }
0x21: {  	s15 =	sadd.s32 $0xFFFFFFFF, s31;
	[sflag:s4] =	ssyncset.done $0x0  }
.LBB2_1:
0x22: {  	p0 =	sne.s32 s15, $0x1;
	s15 =	sadd.s32 $0xFFFFFFFF, s15;
	[sflag:s4] =	ssyncadd.s32 $0xFFFF0000  }
0x23: {  	[tilespmem:s3], [sflag:$0x2] =	stream.linear.gather [hbm4b:s5+s3], $0x200, $0x38;
	[tilespmem:$0x10200] =	vst v63  }
0x24: {  	_ =	swait.ge [sflag:s4], $0x200  }
0x25: {  	[sflag:s4] =	ssyncset.done $0x0  }
0x26: {  	[sflag:s4] =	ssyncadd.s32 $0xFFFFFE00  }
0x27: {  	[tilespmem:s7], [sflag:$0x1] =	stream.indirect.gather [hbm4b:s2+s6], $0x80, s3, s6, $0xb8;
	[tilespmem:$0x10200] =	vst v63  }
0x28: {  	_ = 	snop  }
0x29: {  	[tilespmem:s8], [sflag:$0x1] =	stream.indirect.gather [hbm4b:s2+s6], $0x80, s6, s6, $0xb8;
	[tilespmem:$0x10200] =	vst v63  }
0x2a: {  	_ = 	snop  }
0x2b: {  	[tilespmem:s10], [sflag:$0x1] =	stream.indirect.gather [hbm4b:s2+s6], $0x80, s9, s6, $0xb8;
	[tilespmem:$0x10200] =	vst v63  }
0x2c: {  	_ = 	snop  }
0x2d: {  	[tilespmem:s12], [sflag:$0x1] =	stream.indirect.gather [hbm4b:s2+s6], $0x80, s11, s6, $0xb8;
	[tilespmem:$0x10200] =	vst v63  }
0x2e: {  	_ =	swait.ge [sflag:s13], $0x4000  }
0x2f: {  	[sflag:s13] =	ssyncset.done $0x0  }
0x30: {  	[sflag:s13] =	ssyncadd.s32 $0xFFFFC000  }
0x31: {  	_ =	swait.ge [sflag:s13], $0x4000  }
0x32: {  	[sflag:s13] =	ssyncset.done $0x0  }
0x33: {  	[sflag:s13] =	ssyncadd.s32 $0xFFFFC000  }
0x34: {  	_ =	swait.ge [sflag:s13], $0x4000  }
0x35: {  	[sflag:s13] =	ssyncset.done $0x0  }
0x36: {  	[sflag:s13] =	ssyncadd.s32 $0xFFFFC000  }
0x37: {  	_ =	swait.ge [sflag:s13], $0x4000  }
.Ltmp1:
0x38: {  	[sflag:s13] =	ssyncset.done $0x0;
	(pc) =	sbr.rel @p0 .LBB2_1-.Ltmp1, $4  }
0x39: {  	[sflag:s13] =	ssyncadd.s32 $0xFFFFC000  }
0x3a: {  	[hbm4b:s14+s3] =	stream.linear.scatter [tilespmem:s7], [sflag:$0x2], $0x10000, $0x38;
	[tilespmem:$0x10200] =	vst v63  }
0x3b: {  	_ =	swait.ge [sflag:s4], $0x10000  }
0x3c: {  	[sflag:s4] =	ssyncset.done $0x0  }
.LBB2_2:
0x3d: {  	[sflag:s4] =	ssyncadd.s32 $0xFFFF0000  }
0x3e: {  	_ =	sfence.sel $0x180000  }
0x3f: {  	[bflag:$0x0] =	sbarrier.arrive $0xFFFF  }
0x40: {  	p0 =	sne.s32 s0, $0x0;
	_ =	strace $0x90000047  }
0x41: {  	s0 =	sadd.s32 @!p0 $0x100000, s1;
	[bflag:$0x2] =	sbarrier.arrive $0xFFFF  }
0x42: {  	[sflag:s0] =	ssyncadd.tile.s32 @!p0 $0x1;
	_ =	shalt  }
.Lfunc_end2:
_tile_overlayer_lowered:
.L_overlay_start_2:
0x43: {  	(tag) =	ssettag $0x2  }
0x44: {  	s0 =	rddreg [dreg:$0x0];
	s2 =	stileid.u32  }
0x45: {  	s1 =	rddreg [dreg:$0x1];
	p0 =	sne.s32 s2, $0x0  }
0x46: {  	s3 =	rddreg [dreg:$0x2];
	[bflag:$0x3] =	sbarrier.arrive $0xFFFF;
	s2 =	simm.s32 @!p0 $0x1C02  }
0x47: {  	[timem:s3], [sflag:s2] =	dma.local @!p0 [hbm:s0], s1  }
0x48: {  	s0 =	simm.s32 @!p0 $0x2  }
0x49: {  	_ =	swait.ge @!p0 [sflag:s0], s1  }
0x4a: {  	s1 =	ssub.s32 @!p0 $0x0, s1;
	[sflag:s0] =	ssyncset.done @!p0 $0x0  }
0x4b: {  	[sflag:s0] =	ssyncadd.s32 @!p0 s1  }
0x4c: {  	[bflag:$0x3] =	sbarrier.arrive $0xFFFF  }
0x4d: {  	_ =	shalt  }

// kernel: kernel.8.cloned.1.call-start
scs
__scs_entry_jumppad:
0x0: {  	(pc) =	sbr.rel $0x88, $3  }
0x1: {  	(tag) =	ssettag $0x0;
	lr =	simm.s32 $0x1  }
0x2: {  	[smem:$0x3F98] =	sst lr;
	_ =	strace $0xD0000000  }
0x3: {  	_ = 	snop  }
0x4: {  	_ = 	snop  }
0x5: {  	_ = 	snop  }
0x6: {  	_ = 	snop  }
0x7: {  	_ = 	snop  }
__scs_overlays_trampoline_lowered:
0x8: {  	[smem:$0x3FA7] =	sst s0  }
0x9: {  	[smem:$0x3FA8] =	sst s1  }
0xa: {  	[smem:$0x3FA9] =	sst s2  }
0xb: {  	[smem:$0x3FAA] =	sst s3  }
0xc: {  	[smem:$0x3FAB] =	sst s4  }
0xd: {  	[smem:$0x3FAC] =	sst s5  }
0xe: {  	[smem:$0x3FAD] =	sst s6  }
0xf: {  	[smem:$0x3FAE] =	sst s7  }
0x10: {  	[smem:$0x3FAF] =	sst s8  }
0x11: {  	[smem:$0x3FB0] =	sst s9;
	s0 =	simm.s32 @!p0 $0x0  }
0x12: {  	s1 =	sld [smem:$0x3F96];
	s0 =	simm.s32 @p0 $0x1  }
0x13: {  	[smem:$0x3FB1] =	sst s0;
	s0 =	simm.s32 @!p1 $0x0  }
0x14: {  	s2 =	sld [smem:$0x3F95];
	s0 =	simm.s32 @p1 $0x1  }
0x15: {  	[smem:$0x3FB2] =	sst s0;
	s0 =	simm.s32 @!p2 $0x0  }
0x16: {  	s3 =	sld [smem:$0x3FDB];
	s0 =	simm.s32 @p2 $0x1  }
0x17: {  	s4 =	simm.s32 $0x1BF5;
	[smem:$0x3FB4] =	sst s0  }
0x18: {  	s0 =	sld [smem:$0x3F97];
	_ =	swait.ge [sflag:s4], $0x0  }
0x19: {  	s7 =	sld [smem:$0x3F98]  }
0x1a: {  	s8 =	sadd.s32 $0xFFFFE003, lr  }
0x1b: {  	s9 =	sadd.s32 $0xFFFFFEF7, lr;
	s5 =	simm.s32 $0xFFFFFFFF;
	p2 =	slt.u32 s8, $0xFFFFF086  }
0x1c: {  	p1 =	slt.u32 s9, $0xF7A;
	s5 =	simm.s32 @!p2 $0x0  }
0x1d: {  	s5 =	simm.s32 @p1 $0x1;
	p0 =	seq.s32 s7, s2  }
0x1e: {  	s7 =	smul.u32 @!p0 $0xF7A, s2;
	p2 =	seq.s32 @!p0 s5, $0x0  }
0x1f: {  	s9 =	smul.u32 $0xF7A, s1;
	s8 =	simm.s32 @!p0 $0x1BF5;
	p2 =	por !p2, p0  }
0x20: {  	[sflag:s8] =	ssyncset.s32 @!p0 $0xFFFFF086;
	s6 =	sadd.s32 @!p0 s3, s7;
	s7 =	simm.s32 @!p0 $0x108  }
0x21: {  	s3 =	sadd.s32 s3, s9;
	s6 =	sadd.s32 @!p0 $0x88, s6;
	s7 =	simm.s32 @p2 $0x1082  }
0x22: {  	[simem:s7], [sflag:s8] =	dma.local @!p0 [hbm:s6], $0xF7A  }
0x23: {  	s9 =	sor.u32 $0xD0000000, s2;
	s6 =	simm.s32 $0x108;
	_ =	swait.ge @!p0 [sflag:s8], $0x0  }
0x24: {  	s3 =	sadd.s32 $0x88, s3;
	s6 =	simm.s32 @!p1 $0x1082;
	[sflag:s4] =	ssyncset.s32 $0xFFFFF086  }
0x25: {  	[simem:s6], [sflag:s4] =	dma.local [hbm:s3], $0xF7A  }
0x26: {  	[smem:$0x3F98] =	sst s1;
	(tag) =	ssettag s2;
	_ =	strace s9  }
0x27: {  	s1 =	sld [smem:$0x3FA8]  }
0x28: {  	s2 =	sld [smem:$0x3FA9]  }
0x29: {  	s4 =	sld [smem:$0x3FAB]  }
0x2a: {  	p0 =	seq.s32 s5, $0x0;
	s5 =	sld [smem:$0x3FAC]  }
0x2b: {  	s6 =	sld [smem:$0x3FAD]  }
0x2c: {  	s7 =	sld [smem:$0x3FAE]  }
0x2d: {  	s3 =	simm.s32 $0x108;
	s8 =	sld [smem:$0x3FAF]  }
0x2e: {  	s3 =	simm.s32 @!p0 $0x1082;
	s9 =	sld [smem:$0x3FB0]  }
0x2f: {  	lr =	sadd.s32 s0, s3;
	s0 =	sld [smem:$0x3FA7]  }
0x30: {  	s3 =	sld [smem:$0x3FAA]  }
0x31: {  	[smem:$0x3FB3] =	sst s10  }
0x32: {  	s10 =	sld [smem:$0x3FB1];
	_ =	sdelay $0x3  }
0x33: {  	p0 =	seq.s32 s10, $0x1;
	s10 =	sld [smem:$0x3FB3];
	_ =	sdelay $0x3  }
0x34: {  	[smem:$0x3FB3] =	sst s10  }
0x35: {  	s10 =	sld [smem:$0x3FB2];
	_ =	sdelay $0x3  }
0x36: {  	p1 =	seq.s32 s10, $0x1;
	s10 =	sld [smem:$0x3FB3];
	_ =	sdelay $0x3  }
0x37: {  	[smem:$0x3FB3] =	sst s10  }
0x38: {  	s10 =	sld [smem:$0x3FB4]  }
0x39: {  	_ = 	snop;
	(pc) =	sbr.ind lr, $3  }
0x3a: {  	_ = 	snop  }
0x3b: {  	_ = 	snop  }
0x3c: {  	p2 =	seq.s32 s10, $0x1;
	s10 =	sld [smem:$0x3FB3]  }
0x3d: {  	_ =	shalt  }
0x3e: {  	_ =	shalt  }
0x3f: {  	_ =	shalt  }
0x40: {  	_ =	shalt  }
0x41: {  	_ =	shalt  }
0x42: {  	_ =	shalt  }
0x43: {  	_ =	shalt  }
0x44: {  	_ =	shalt  }
0x45: {  	_ =	shalt  }
0x46: {  	_ =	shalt  }
0x47: {  	_ =	shalt  }
0x48: {  	_ =	shalt  }
0x49: {  	_ =	shalt  }
0x4a: {  	_ =	shalt  }
0x4b: {  	_ =	shalt  }
0x4c: {  	_ =	shalt  }
0x4d: {  	_ =	shalt  }
0x4e: {  	_ =	shalt  }
0x4f: {  	_ =	shalt  }
0x50: {  	_ =	shalt  }
0x51: {  	_ =	shalt  }
0x52: {  	_ =	shalt  }
0x53: {  	_ =	shalt  }
0x54: {  	_ =	shalt  }
0x55: {  	_ =	shalt  }
0x56: {  	_ =	shalt  }
0x57: {  	_ =	shalt  }
0x58: {  	_ =	shalt  }
0x59: {  	_ =	shalt  }
0x5a: {  	_ =	shalt  }
0x5b: {  	_ =	shalt  }
0x5c: {  	_ =	shalt  }
0x5d: {  	_ =	shalt  }
0x5e: {  	_ =	shalt  }
0x5f: {  	_ =	shalt  }
0x60: {  	_ =	shalt  }
0x61: {  	_ =	shalt  }
0x62: {  	_ =	shalt  }
0x63: {  	_ =	shalt  }
0x64: {  	_ =	shalt  }
0x65: {  	_ =	shalt  }
0x66: {  	_ =	shalt  }
0x67: {  	_ =	shalt  }
0x68: {  	_ =	shalt  }
0x69: {  	_ =	shalt  }
0x6a: {  	_ =	shalt  }
0x6b: {  	_ =	shalt  }
0x6c: {  	_ =	shalt  }
0x6d: {  	_ =	shalt  }
0x6e: {  	_ =	shalt  }
0x6f: {  	_ =	shalt  }
0x70: {  	_ =	shalt  }
0x71: {  	_ =	shalt  }
0x72: {  	_ =	shalt  }
0x73: {  	_ =	shalt  }
0x74: {  	_ =	shalt  }
0x75: {  	_ =	shalt  }
0x76: {  	_ =	shalt  }
0x77: {  	_ =	shalt  }
0x78: {  	_ =	shalt  }
0x79: {  	_ =	shalt  }
0x7a: {  	_ =	shalt  }
0x7b: {  	_ =	shalt  }
0x7c: {  	_ =	shalt  }
0x7d: {  	_ =	shalt  }
0x7e: {  	_ =	shalt  }
0x7f: {  	_ =	shalt  }
0x80: {  	_ =	shalt  }
0x81: {  	_ =	shalt  }
0x82: {  	_ =	shalt  }
0x83: {  	_ =	shalt  }
0x84: {  	_ =	shalt  }
0x85: {  	_ =	shalt  }
0x86: {  	_ =	shalt  }
0x87: {  	_ =	shalt  }
.Lfunc_end0:
.L_simem_size_0:
called_computation.1_lowered:
.L_overlay_start_0:
0x88: {  	s2 =	sld [smem:$0x3FD9]  }
0x89: {  	s3 =	sld [smem:$0x3FFE];
	_ =	sdelay $0x1  }
0x8a: {  	s1 =	srdreg.scid  }
0x8b: {  	s0 =	sand.u32 $0x1, s1  }
0x8c: {  	s17 =	sshll.u32 s0, $0xA;
	s2 =	sadd.s32 s3, s2  }
0x8d: {  	s2 =	sadd.s32 s2, s17  }
0x8e: {  	[smem:$0x3FBF] =	sst s2  }
0x8f: {  	_ = 	snop  }
0x90: {  	s2 =	sld [smem:$0x3FD0];
	(tm) =	ssettm $0x1  }
0x91: {  	s18 =	sld [smem:$0x3FFB];
	_ =	sdelay $0x3  }
0x92: {  	_ =	strace s18  }
0x93: {  	s3 =	sld [smem:$0x3FFC];
	_ =	sdelay $0x3  }
0x94: {  	_ =	strace s3  }
0x95: {  	s3 =	sld [smem:$0x3FFD];
	_ =	sdelay $0x3  }
0x96: {  	_ =	strace s3  }
0x97: {  	_ =	strace $0x8FFFFFFF  }
0x98: {  	s19 =	sld [smem:$0x3FDB];
	_ =	sdelay $0x1  }
0x99: {  	s4 =	simm.s32 $_scs_section_size  }
0x9a: {  	s5 =	simm.s32 $_size__tile_overlayer_lowered;
	s6 =	simm.s32 $_tile_overlayer_lowered  }
0x9b: {  	s22 =	simm.s32 $0x1BFF;
	s21 =	sshll.u32 s6, $0x1;
	s3 =	sadd.s32 s4, s19  }
0x9c: {  	s7 =	simm.s32 $0x0;
	s20 =	sshll.u32 s5, $0x1;
	s5 =	sadd.s32 s21, s3  }
0x9d: {  	[timem:s7], [sflag:s22] =	dma.local [hbm:s5], s20  }
0x9e: {  	_ =	swait.ge [sflag:s22], s20  }
0x9f: {  	s4 =	ssub.s32 $0x0, s20;
	[sflag:s22] =	ssyncset.done $0x0  }
0xa0: {  	[sflag:s22] =	ssyncadd.s32 s4;
	_ =	sdelay $0x1  }
0xa1: {  	s23 =	simm.s32 $0x1B8B  }
0xa2: {  	_ =	swait.ge [sflag:s23], $0x1  }
0xa3: {  	[sflag:s23] =	ssyncset.done $0x0  }
0xa4: {  	s25 =	simm.s32 $0x1B8E;
	s24 =	sld [smem:$0x3FFE];
	[sflag:s23] =	ssyncadd.s32 $0xFFFFFFFF  }
0xa5: {  	s26 =	simm.s32 $execute0_lowered;
	[smem:$0x3FD2] =	sst s25  }
0xa6: {  	s5 =	sshll.u32 s26, $0x1;
	_ =	strace $0x80000049;
	[dreg:$0x1] =	wrdreg $0xFFFFFFFF  }
0xa7: {  	s28 =	simm.s32 $_size_execute0_lowered;
	s3 =	sadd.s32 s3, s5;
	[dreg:$0x0] =	wrdreg $0x0  }
0xa8: {  	s5 =	sshll.u32 s28, $0x1;
	[dreg:$0x2] =	wrdreg s3  }
0xa9: {  	[dreg:$0x3] =	wrdreg s5  }
0xaa: {  	[dreg:$0x4] =	wrdreg $0xC0  }
0xab: {  	_ =	task [dreg:s7], $0x5FFFF  }
0xac: {  	[dreg:$0x1] =	wrdreg $0xFFFFFFFF  }
0xad: {  	[dreg:$0x0] =	wrdreg $0x60  }
0xae: {  	[dreg:$0x2] =	wrdreg s2  }
0xaf: {  	[dreg:$0x3] =	wrdreg s24  }
0xb0: {  	[dreg:$0x4] =	wrdreg $0x9  }
0xb1: {  	_ =	task.clear_ibuf [dreg:s7], $0x5FFFF;
	_ =	strace $0x90000049  }
0xb2: {  	s29 =	simm.s32 $0x9;
	_ =	strace $0x8000004B  }
0xb3: {  	_ =	swait.ge [sflag:s29], $0x1  }
0xb4: {  	[sflag:s29] =	ssyncadd.s32 $0xFFFFFFFF  }
0xb5: {  	_ =	strace $0x9000004B  }
0xb6: {  	_ =	sfence  }
0xb7: {  	s30 =	sld [smem:$0x0];
	_ =	sdelay $0x2  }
0xb8: {  	s31 =	sshll.u32 s1, $0xD;
	s1 =	sshrl.u32 s1, $0x2  }
0xb9: {  	s3 =	sand.u32 $0x4000, s31;
	s1 =	sadd.s32 s1, s30  }
0xba: {  	s0 =	sor.u32 s3, s0;
	s1 =	sshll.u32 s1, $0x11  }
0xbb: {  	s0 =	sor.u32 s1, s0  }
0xbc: {  	s0 =	sadd.s32 $0x8F2B, s0  }
0xbd: {  	[sflag:s0] =	ssyncadd.remote.s32 $0x1  }
0xbe: {  	_ =	sfence.sel $0xFFFF  }
0xbf: {  	[dreg:$0x0] =	wrdreg $0xFFFFFFFF;
	(pc) =	sbr.abs _section_cstart, $3  }
0xc0: {  	[dreg:$0x1] =	wrdreg $0xFFFFFFFF  }
0xc1: {  	_ =	task.clear_ibuf [dreg:s7], $0x2FFFF;
	_ =	strace $0x9FFFFFFF  }
0xc2: {  	(tm) =	ssettm $0x7FFFFFFF  }
0xc3: {  	_ =	shalt  }
tec
execute0_lowered:
.L_overlay_start_1:
0x0: {  	(tag) =	ssettag $0x1  }
0x1: {  	s1 =	srdreg.scid  }
0x2: {  	s0 =	stileid.u32;
	s15 =	sand.u32 $0x1, s1  }
0x3: {  	s31 =	sshll.u32 s0, $0xA;
	s3 =	sshll.u32 s15, $0x9  }
0x4: {  	s2 =	rddreg [dreg:$0x0];
	s7 =	sor.u32 s3, s31  }
0x5: {  	s6 =	rddreg [dreg:$0x1];
	s3 =	simm.s32 $0x0;
	s4 =	sshrl.u32 s7, $0x3  }
0x6: {  	s5 =	simm.s32 $0x2;
	[smem:$0x7FF] =	sst s3;
	s4 =	sadd.s32 s4, s6  }
0x7: {  	s1 =	rddreg [dreg:$0x2];
	_ =	strace $0x8000004A;
	s4 =	sadd.s32 $0x1600, s4  }
0x8: {  	[tilespmem:s3], [sflag:$0x2] =	stream.linear.gather [hbm4b:s4+s3], $0x200, $0x38;
	[tilespmem:$0x10200] =	vst v63  }
0x9: {  	s7 =	sshll.u32 s7, $0x4;
	_ =	swait.ge [sflag:s5], $0x200  }
0xa: {  	s6 =	sadd.s32 s7, s6;
	[sflag:s5] =	ssyncset.done $0x0  }
0xb: {  	s7 =	simm.s32 $0x200;
	s6 =	sadd.s32 $0x1E00, s6;
	[sflag:s5] =	ssyncadd.s32 $0xFFFFFE00  }
0xc: {  	[tilespmem:s7], [sflag:$0x2] =	stream.linear.gather [hbm4b:s6+s3], $0x10000, $0x38;
	[tilespmem:$0x10200] =	vst v63  }
0xd: {  	_ =	swait.ge [sflag:s5], $0x10000  }
0xe: {  	[sflag:s5] =	ssyncset.done $0x0  }
0xf: {  	s8 =	simm.s32 $0x80;
	[sflag:s5] =	ssyncadd.s32 $0xFFFF0000  }
0x10: {  	[hbm4b:s2+s8] =	stream.indirect.scatter [tilespmem:s7], [sflag:$0x1], $0x80, s3, s8, $0xb8;
	[tilespmem:$0x10200] =	vst v63  }
0x11: {  	s9 =	simm.s32 $0x4200  }
0x12: {  	[hbm4b:s2+s8] =	stream.indirect.scatter [tilespmem:s9], [sflag:$0x1], $0x80, s8, s8, $0xb8;
	[tilespmem:$0x10200] =	vst v63  }
0x13: {  	s10 =	simm.s32 $0x100;
	s11 =	simm.s32 $0x8200  }
0x14: {  	[hbm4b:s2+s8] =	stream.indirect.scatter [tilespmem:s11], [sflag:$0x1], $0x80, s10, s8, $0xb8;
	[tilespmem:$0x10200] =	vst v63  }
0x15: {  	s12 =	simm.s32 $0x180;
	s14 =	simm.s32 $0xC200;
	s13 =	simm.s32 $0x1  }
0x16: {  	[hbm4b:s2+s8] =	stream.indirect.scatter [tilespmem:s14], [sflag:$0x1], $0x80, s12, s8, $0xb8;
	[tilespmem:$0x10200] =	vst v63  }
0x17: {  	_ =	swait.ge [sflag:s13], $0x4000  }
0x18: {  	s15 =	ssub.s32 $0x2, s15;
	[sflag:s13] =	ssyncset.done $0x0  }
0x19: {  	s16 =	sshrl.u32 s15, $0x1;
	[sflag:s13] =	ssyncadd.s32 $0xFFFFC000  }
0x1a: {  	s15 =	ssub.s32 s15, s16;
	_ =	swait.ge [sflag:s13], $0x4000  }
0x1b: {  	s15 =	smax.u32 s15, $0x1;
	[sflag:s13] =	ssyncset.done $0x0  }
0x1c: {  	p0 =	sne.s32 s15, $0x1;
	[sflag:s13] =	ssyncadd.s32 $0xFFFFC000  }
.Ltmp0:
0x1d: {  	_ =	swait.ge [sflag:s13], $0x4000;
	(pc) =	sbr.rel @!p0 .LBB2_2-.Ltmp0, $4  }
0x1e: {  	[sflag:s13] =	ssyncset.done $0x0  }
0x1f: {  	[sflag:s13] =	ssyncadd.s32 $0xFFFFC000  }
0x20: {  	_ =	swait.ge [sflag:s13], $0x4000  }
0x21: {  	s15 =	sadd.s32 $0xFFFFFFFF, s15;
	[sflag:s13] =	ssyncset.done $0x0  }
.LBB2_1:
0x22: {  	p0 =	sne.s32 s15, $0x1;
	s15 =	sadd.s32 $0xFFFFFFFF, s15;
	[sflag:s13] =	ssyncadd.s32 $0xFFFFC000  }
0x23: {  	[tilespmem:s3], [sflag:$0x2] =	stream.linear.gather [hbm4b:s4+s3], $0x200, $0x38;
	[tilespmem:$0x10200] =	vst v63  }
0x24: {  	_ =	swait.ge [sflag:s5], $0x200  }
0x25: {  	[sflag:s5] =	ssyncset.done $0x0  }
0x26: {  	[sflag:s5] =	ssyncadd.s32 $0xFFFFFE00  }
0x27: {  	[tilespmem:s7], [sflag:$0x2] =	stream.linear.gather [hbm4b:s6+s3], $0x10000, $0x38;
	[tilespmem:$0x10200] =	vst v63  }
0x28: {  	_ =	swait.ge [sflag:s5], $0x10000  }
0x29: {  	[sflag:s5] =	ssyncset.done $0x0  }
0x2a: {  	[sflag:s5] =	ssyncadd.s32 $0xFFFF0000  }
0x2b: {  	[hbm4b:s2+s8] =	stream.indirect.scatter [tilespmem:s7], [sflag:$0x1], $0x80, s3, s8, $0xb8;
	[tilespmem:$0x10200] =	vst v63  }
0x2c: {  	_ = 	snop  }
0x2d: {  	[hbm4b:s2+s8] =	stream.indirect.scatter [tilespmem:s9], [sflag:$0x1], $0x80, s8, s8, $0xb8;
	[tilespmem:$0x10200] =	vst v63  }
0x2e: {  	_ = 	snop  }
0x2f: {  	[hbm4b:s2+s8] =	stream.indirect.scatter [tilespmem:s11], [sflag:$0x1], $0x80, s10, s8, $0xb8;
	[tilespmem:$0x10200] =	vst v63  }
0x30: {  	_ = 	snop  }
0x31: {  	[hbm4b:s2+s8] =	stream.indirect.scatter [tilespmem:s14], [sflag:$0x1], $0x80, s12, s8, $0xb8;
	[tilespmem:$0x10200] =	vst v63  }
0x32: {  	_ =	swait.ge [sflag:s13], $0x4000  }
0x33: {  	[sflag:s13] =	ssyncset.done $0x0  }
0x34: {  	[sflag:s13] =	ssyncadd.s32 $0xFFFFC000  }
0x35: {  	_ =	swait.ge [sflag:s13], $0x4000  }
0x36: {  	[sflag:s13] =	ssyncset.done $0x0  }
0x37: {  	[sflag:s13] =	ssyncadd.s32 $0xFFFFC000  }
.Ltmp1:
0x38: {  	_ =	swait.ge [sflag:s13], $0x4000;
	(pc) =	sbr.rel @p0 .LBB2_1-.Ltmp1, $4  }
0x39: {  	[sflag:s13] =	ssyncset.done $0x0  }
0x3a: {  	[sflag:s13] =	ssyncadd.s32 $0xFFFFC000  }
0x3b: {  	_ =	swait.ge [sflag:s13], $0x4000  }
0x3c: {  	[sflag:s13] =	ssyncset.done $0x0  }
.LBB2_2:
0x3d: {  	[sflag:s13] =	ssyncadd.s32 $0xFFFFC000  }
0x3e: {  	_ =	sfence.sel $0x180000  }
0x3f: {  	[bflag:$0x0] =	sbarrier.arrive $0xFFFF  }
0x40: {  	p0 =	sne.s32 s0, $0x0;
	_ =	strace $0x9000004A  }
0x41: {  	s0 =	sadd.s32 @!p0 $0x100000, s1;
	[bflag:$0x2] =	sbarrier.arrive $0xFFFF  }
0x42: {  	[sflag:s0] =	ssyncadd.tile.s32 @!p0 $0x1;
	_ =	shalt  }
.Lfunc_end2:
_tile_overlayer_lowered:
.L_overlay_start_2:
0x43: {  	(tag) =	ssettag $0x2  }
0x44: {  	s0 =	rddreg [dreg:$0x0];
	s2 =	stileid.u32  }
0x45: {  	s1 =	rddreg [dreg:$0x1];
	p0 =	sne.s32 s2, $0x0  }
0x46: {  	s3 =	rddreg [dreg:$0x2];
	[bflag:$0x3] =	sbarrier.arrive $0xFFFF;
	s2 =	simm.s32 @!p0 $0x1C02  }
0x47: {  	[timem:s3], [sflag:s2] =	dma.local @!p0 [hbm:s0], s1  }
0x48: {  	s0 =	simm.s32 @!p0 $0x2  }
0x49: {  	_ =	swait.ge @!p0 [sflag:s0], s1  }
0x4a: {  	s1 =	ssub.s32 @!p0 $0x0, s1;
	[sflag:s0] =	ssyncset.done @!p0 $0x0  }
0x4b: {  	[sflag:s0] =	ssyncadd.s32 @!p0 s1  }
0x4c: {  	[bflag:$0x3] =	sbarrier.arrive $0xFFFF  }
0x4d: {  	_ =	shalt  }

</sc_bundles>
